<compile_context>
chip_gen: v7x
topology: tpu7x:2x2x1
jax: 0.10.2.dev20260603
libtpu: 0.0.44.dev20260713+nightly
codegen_flags: <defaults>
</compile_context>

<pallas_src>
import dataclasses

import jax
import jax.numpy as jnp
from jax.experimental import pallas as pl
from jax.experimental.pallas import tpu as pltpu
from jax.experimental.pallas import tpu_sc as plsc

_B = 128
_N = 8192
_K = 64
_OUT = 16
_TEMP = 0.5
_V = 16
_NCHUNK = _N // _V


def _sc_gate_kernel(scores_ref, out_ref, col_ref, candb_ref,
                    candi_ref, gate_ref, sem):
    c = jax.lax.axis_index("c")
    s = jax.lax.axis_index("s")

    @pl.when(c == 0)
    def _active():
        j = s
        pltpu.async_copy(scores_ref.at[j], col_ref, sem).wait()

        lanes = jax.lax.iota(jnp.int32, _V)

        def _maxpass(i, carry):
            a0, a1, a2, a3 = carry
            base = i * 4 * _V
            b0 = plsc.bitcast(col_ref[pl.ds(base, _V)], jnp.int32)
            b1 = plsc.bitcast(col_ref[pl.ds(base + _V, _V)], jnp.int32)
            b2 = plsc.bitcast(col_ref[pl.ds(base + 2 * _V, _V)],
                              jnp.int32)
            b3 = plsc.bitcast(col_ref[pl.ds(base + 3 * _V, _V)],
                              jnp.int32)
            return (jnp.maximum(a0, b0), jnp.maximum(a1, b1),
                    jnp.maximum(a2, b2), jnp.maximum(a3, b3))

        z = jnp.zeros((_V,), jnp.int32)
        a0, a1, a2, a3 = jax.lax.fori_loop(0, _NCHUNK // 4, _maxpass,
                                           (z, z, z, z))
        t_c = jnp.min(jnp.minimum(jnp.minimum(a0, a1),
                                  jnp.minimum(a2, a3)))
        gmax = jnp.max(jnp.maximum(jnp.maximum(a0, a1),
                                   jnp.maximum(a2, a3)))

        def _count_ge(ref, n_lim, t):
            def body(i, acc):
                v = ref[pl.ds(i * _V, _V)]
                valid = lanes + i * _V < n_lim
                return acc + ((v >= t) & valid).astype(jnp.int32)

            nch = (n_lim + _V - 1) // _V
            accv = jax.lax.fori_loop(0, nch, body,
                                     jnp.zeros((_V,), jnp.int32))
            return jnp.sum(accv)

        def _kth_largest(ref, n_lim, kth, lo, hi):
            def cond(carry):
                lo, hi = carry
                return hi - lo > 1

            def body(carry):
                lo, hi = carry
                mid = (lo + hi) >> 1
                ge = _count_ge(ref, n_lim, mid) >= kth
                return (jnp.where(ge, mid, lo), jnp.where(ge, hi, mid))

            lo, hi = jax.lax.while_loop(cond, body, (lo, hi))
            return lo

        def _compact(i, off):
            v = col_ref[pl.ds(i * _V, _V)]
            bits = plsc.bitcast(v, jnp.int32)
            m = bits >= t_c
            idxv = lanes + i * _V
            plsc.store_compressed(candb_ref.at[pl.ds(off, _V)], bits,
                                  mask=m)
            plsc.store_compressed(candi_ref.at[pl.ds(off, _V)], idxv,
                                  mask=m)
            return off + jnp.sum(m.astype(jnp.int32))

        n_cand = jax.lax.fori_loop(0, _NCHUNK, _compact, jnp.int32(0),
                                   unroll=4)

        tau = _kth_largest(candb_ref, n_cand, jnp.int32(_K), t_c,
                           gmax + 1)

        ncch = (n_cand + _V - 1) // _V

        def _count_gt(i, acc):
            v = candb_ref[pl.ds(i * _V, _V)]
            valid = lanes + i * _V < n_cand
            return acc + ((v > tau) & valid).astype(jnp.int32)

        n_gt = jnp.sum(jax.lax.fori_loop(0, ncch, _count_gt,
                                         jnp.zeros((_V,), jnp.int32)))
        need = _K - n_gt

        def cond2(carry):
            lo, hi = carry
            return hi - lo > 1

        def body2(carry):
            lo, hi = carry
            mid = (lo + hi) >> 1

            def cnt_body(i, acc):
                v = candb_ref[pl.ds(i * _V, _V)]
                ix = candi_ref[pl.ds(i * _V, _V)]
                valid = lanes + i * _V < n_cand
                m = (v == tau) & (ix < mid) & valid
                return acc + m.astype(jnp.int32)

            cnt = jnp.sum(jax.lax.fori_loop(0, ncch, cnt_body,
                                            jnp.zeros((_V,), jnp.int32)))
            ok = cnt <= need
            return (jnp.where(ok, mid, lo), jnp.where(ok, hi, mid))

        cut, _ = jax.lax.while_loop(cond2, body2,
                                    (jnp.int32(0), jnp.int32(_N + 1)))

        def _zero(i, _):
            gate_ref[pl.ds(i * _V, _V)] = jnp.zeros((_V,), jnp.float32)
            return 0

        jax.lax.fori_loop(0, _NCHUNK, _zero, 0, unroll=4)

        def _kept(i):
            v = candb_ref[pl.ds(i * _V, _V)]
            ix = candi_ref[pl.ds(i * _V, _V)]
            valid = lanes + i * _V < n_cand
            kept = ((v > tau) | ((v == tau) & (ix < cut))) & valid
            e = jnp.exp(plsc.bitcast(v, jnp.float32) * (1.0 / _TEMP))
            return ix, kept, e

        def _denom_body(i, acc):
            _, kept, e = _kept(i)
            return acc + jnp.where(kept, e, 0.0)

        acc = jax.lax.fori_loop(0, ncch, _denom_body,
                                jnp.zeros((_V,), jnp.float32))
        inv = jnp.ones((_V,), jnp.float32) / jnp.broadcast_to(
            jnp.sum(acc), (_V,))

        def _scatter_body(i, _):
            ix, kept, e = _kept(i)
            plsc.store_scatter(gate_ref, [ix], e * inv, mask=kept)
            return 0

        jax.lax.fori_loop(0, ncch, _scatter_body, 0)
        pltpu.async_copy(gate_ref, out_ref.at[j], sem).wait()


def _sc_gate(scores_t):
    cp = pltpu.CompilerParams()
    if "needs_layout_passes" in pltpu.CompilerParams.__dataclass_fields__:
        cp = dataclasses.replace(cp, needs_layout_passes=False)
    kfn = pl.kernel(
        _sc_gate_kernel,
        out_type=jax.ShapeDtypeStruct((_OUT, _N), jnp.float32),
        mesh=plsc.VectorSubcoreMesh(core_axis_name="c",
                                    subcore_axis_name="s"),
        compiler_params=cp,
        scratch_types=[
            pltpu.VMEM((_N,), jnp.float32),
            pltpu.VMEM((_N + _V,), jnp.int32),
            pltpu.VMEM((_N + _V,), jnp.int32),
            pltpu.VMEM((_N,), jnp.float32),
            pltpu.SemaphoreType.DMA,
        ],
    )
    return kfn(scores_t)


_G = 8


def _bcast_kernel(gate_ref, out_ref, rep_ref, sem):
    g = gate_ref[...]
    for r in range(_G):
        rep_ref[r] = g

    def _start(b, _):
        pltpu.make_async_copy(rep_ref, out_ref.at[pl.ds(b * _G, _G)],
                              sem).start()
        return 0

    jax.lax.fori_loop(0, _B // _G, _start, 0)

    def _wait(b, _):
        pltpu.make_async_copy(rep_ref, out_ref.at[pl.ds(b * _G, _G)],
                              sem).wait()
        return 0

    jax.lax.fori_loop(0, _B // _G, _wait, 0)


def kernel(X, scores):
    del X
    gate_t = _sc_gate(scores.T)
    out_t = pl.pallas_call(
        _bcast_kernel,
        in_specs=[pl.BlockSpec(memory_space=pltpu.VMEM)],
        out_specs=pl.BlockSpec(memory_space=pl.ANY),
        out_shape=jax.ShapeDtypeStruct((_B, _OUT, _N), jnp.float32),
        scratch_shapes=[pltpu.VMEM((_G, _OUT, _N), jnp.float32),
                        pltpu.SemaphoreType.DMA],
    )(gate_t)
    return out_t.transpose(0, 2, 1)

# --- scband reference (transcript-rebuilt; emitter-appended) ---
"""Pipeline reference for scband-learnable-gate-46789373723355 (READ-ONLY COPY).

The authoritative reference and input builder live on the scoring server;
editing this copy changes nothing except your own understanding.
"""

import jax, jax.numpy as jnp
import numpy as np

B = 128
N = 8192
K = 64
OUT = 16
TEMP = 0.5


def setup_inputs(seed: int = 0) -> dict:
    key = jax.random.key(seed)
    k1, k2 = jax.random.split(key)
    # X is only used for its shape (B, n, D, 1, 1, 1); D kept at 1 to save memory
    X = jax.random.normal(k1, (B, N, 1, 1, 1, 1), dtype=jnp.float32)
    # learned parameter: scores (n, out_num), init uniform(0, 1) per module __init__
    scores = jax.random.uniform(k2, (N, OUT), dtype=jnp.float32, minval=0.0, maxval=1.0)
    return {"X": X, "scores": scores}


def reference(X, scores):
    Bn = X.shape[0]
    n = X.shape[1]
    # scores.unsqueeze(0).expand(B, -1, -1)
    scores_b = jnp.broadcast_to(scores[None, :, :], (Bn, n, OUT))
    # softmax over feature dim (dim=1) with temperature
    soft = jax.nn.softmax(scores_b / TEMP, axis=1)
    # torch.topk(soft, k, dim=1).indices -> transpose so topk runs on last axis
    soft_t = jnp.transpose(soft, (0, 2, 1))  # (B, OUT, N)
    _, idx_t = jax.lax.top_k(soft_t, K)      # (B, OUT, K)
    topk_idx = jnp.transpose(idx_t, (0, 2, 1))  # (B, K, OUT)
    # gather soft values at topk positions
    vals = jnp.take_along_axis(soft, topk_idx, axis=1)  # (B, K, OUT)
    b_idx = jnp.arange(Bn).reshape(Bn, 1, 1)
    c_idx = jnp.arange(OUT).reshape(1, 1, OUT)
    # scatter-overwrite into zeros (sparse k-hot scores)
    sparse = jnp.zeros_like(soft).at[b_idx, topk_idx, c_idx].set(vals)
    # straight-through estimator: forward value = sparse, grads flow via scores
    gates = sparse - jax.lax.stop_gradient(scores_b) + scores_b
    gates = gates / jnp.sum(gates, axis=1, keepdims=True)
    return gates

if __name__ == "__main__":
    import jax
    _d = setup_inputs()
    print(jax.jit(kernel)(*tuple(_d.values())))

</pallas_src>

<mosaic_0001>
#map = affine_map<(d0, d1) -> (0, 0)>
module attributes {stable_mosaic.version = 14 : i64} {
  func.func @_sc_gate_kernel(%arg0: i32, %arg1: i32, %arg2: memref<16x8192xf32, #tpu.memory_space<hbm>>, %arg3: memref<16x8192xf32, #tpu.memory_space<hbm>>, %arg4: memref<8192xf32, #tpu.memory_space<vmem>>, %arg5: memref<8208xi32, #tpu.memory_space<vmem>>, %arg6: memref<8208xi32, #tpu.memory_space<vmem>>, %arg7: memref<8192xf32, #tpu.memory_space<vmem>>, %arg8: memref<!tpu.dma_semaphore, #tpu.memory_space<semaphore_mem>>) attributes {dimension_semantics = [#tpu.dimension_semantics<core_parallel>, #tpu.dimension_semantics<subcore_parallel>], iteration_bounds = array<i64: 2, 16>, scalar_prefetch = 0 : i64, scratch_operands = 5 : i64, tpu.core_type = #tpu.core_type<sc_vector_subcore>, window_params = [{transform_indices = #map}, {transform_indices = #map}]} {
    %eq3A = arith.constant 0 : i32
    %eq3A_0 = arith.cmpi eq, %arg0, %eq3A : i32
    %convert_element_type3A = arith.extui %eq3A_0 : i1 to i32
    %cond3A = arith.constant 0 : i32
    %cond3A_1 = arith.cmpi ne, %convert_element_type3A, %cond3A : i32
    scf.if %cond3A_1 {
      %dma_start3A = arith.constant 0 : i32
      %dma_start3A_2 = tpu.memref_slice %arg2[%arg1, %dma_start3A] : memref<16x8192xf32, #tpu.memory_space<hbm>> -> memref<1x8192xf32, #tpu.memory_space<hbm>>
      %dma_start3A_3 = tpu.memref_squeeze %dma_start3A_2 : memref<1x8192xf32, #tpu.memory_space<hbm>> -> memref<8192xf32, #tpu.memory_space<hbm>>
      %dma_start3A_4 = arith.constant 0 : i32
      %dma_start3A_5 = tpu.memref_slice %arg2[%arg1, %dma_start3A_4] : memref<16x8192xf32, #tpu.memory_space<hbm>> -> memref<1x8192xf32, #tpu.memory_space<hbm>>
      %dma_start3A_6 = tpu.memref_squeeze %dma_start3A_5 : memref<1x8192xf32, #tpu.memory_space<hbm>> -> memref<8192xf32, #tpu.memory_space<hbm>>
      tpu.enqueue_dma source(%dma_start3A_6 : memref<8192xf32, #tpu.memory_space<hbm>>) target(%arg4 : memref<8192xf32, #tpu.memory_space<vmem>>) target_semaphore(%arg8 : memref<!tpu.dma_semaphore, #tpu.memory_space<semaphore_mem>>)
      %dma_wait3A = arith.constant 0 : i32
      %dma_wait3A_7 = tpu.memref_slice %arg2[%arg1, %dma_wait3A] : memref<16x8192xf32, #tpu.memory_space<hbm>> -> memref<1x8192xf32, #tpu.memory_space<hbm>>
      %dma_wait3A_8 = tpu.memref_squeeze %dma_wait3A_7 : memref<1x8192xf32, #tpu.memory_space<hbm>> -> memref<8192xf32, #tpu.memory_space<hbm>>
      %dma_wait3A_9 = arith.constant 0 : i32
      %dma_wait3A_10 = tpu.memref_slice %arg2[%arg1, %dma_wait3A_9] : memref<16x8192xf32, #tpu.memory_space<hbm>> -> memref<1x8192xf32, #tpu.memory_space<hbm>>
      %dma_wait3A_11 = tpu.memref_squeeze %dma_wait3A_10 : memref<1x8192xf32, #tpu.memory_space<hbm>> -> memref<8192xf32, #tpu.memory_space<hbm>>
      tpu.wait_dma2 semaphore(%arg8 : memref<!tpu.dma_semaphore, #tpu.memory_space<semaphore_mem>>) src(%dma_wait3A_11 : memref<8192xf32, #tpu.memory_space<hbm>>) dst(%arg4 : memref<8192xf32, #tpu.memory_space<vmem>>)
      %iota3A = tpu.iota {dimensions = array<i32: 0>} : vector<16xi32>
      %broadcast_in_dim3A = arith.constant 0 : i32
      %broadcast_in_dim3A_12 = vector.broadcast %broadcast_in_dim3A : i32 to vector<16xi32>
      %scan3A = arith.constant 0 : i32
      %scan3A_13 = arith.constant 128 : i32
      %scan3A_14 = arith.addi %scan3A, %scan3A_13 : i32
      %scan3A_15 = arith.constant 1 : i32
      %scan3A_16:4 = scf.for %scan3A_138 = %scan3A to %scan3A_14 step %scan3A_15 iter_args(%scan3A_139 = %broadcast_in_dim3A_12, %scan3A_140 = %broadcast_in_dim3A_12, %scan3A_141 = %broadcast_in_dim3A_12, %scan3A_142 = %broadcast_in_dim3A_12) -> (vector<16xi32>, vector<16xi32>, vector<16xi32>, vector<16xi32>)  : i32 {
        %mul3A = arith.constant 4 : i32
        %mul3A_143 = arith.muli %scan3A_138, %mul3A : i32
        %mul3A_144 = arith.constant 16 : i32
        %mul3A_145 = arith.muli %mul3A_143, %mul3A_144 : i32
        %get3A = arith.index_cast %mul3A_145 : i32 to index
        %get3A_146 = tpu.vector_load %arg4[%get3A] {strides = array<i32>} : memref<8192xf32, #tpu.memory_space<vmem>>, vector<16xf32>,
        %bitcast3A = vector.bitcast %get3A_146 : vector<16xf32> to vector<16xi32>
        %add3A_147 = arith.constant 16 : i32
        %add3A_148 = arith.addi %mul3A_145, %add3A_147 : i32
        %get3A_149 = arith.index_cast %add3A_148 : i32 to index
        %get3A_150 = tpu.vector_load %arg4[%get3A_149] {strides = array<i32>} : memref<8192xf32, #tpu.memory_space<vmem>>, vector<16xf32>,
        %bitcast3A_151 = vector.bitcast %get3A_150 : vector<16xf32> to vector<16xi32>
        %add3A_152 = arith.constant 32 : i32
        %add3A_153 = arith.addi %mul3A_145, %add3A_152 : i32
        %get3A_154 = arith.index_cast %add3A_153 : i32 to index
        %get3A_155 = tpu.vector_load %arg4[%get3A_154] {strides = array<i32>} : memref<8192xf32, #tpu.memory_space<vmem>>, vector<16xf32>,
        %bitcast3A_156 = vector.bitcast %get3A_155 : vector<16xf32> to vector<16xi32>
        %add3A_157 = arith.constant 48 : i32
        %add3A_158 = arith.addi %mul3A_145, %add3A_157 : i32
        %get3A_159 = arith.index_cast %add3A_158 : i32 to index
        %get3A_160 = tpu.vector_load %arg4[%get3A_159] {strides = array<i32>} : memref<8192xf32, #tpu.memory_space<vmem>>, vector<16xf32>,
        %bitcast3A_161 = vector.bitcast %get3A_160 : vector<16xf32> to vector<16xi32>
        %max3A_162 = arith.maxsi %scan3A_139, %bitcast3A : vector<16xi32>
        %max3A_163 = arith.maxsi %scan3A_140, %bitcast3A_151 : vector<16xi32>
        %max3A_164 = arith.maxsi %scan3A_141, %bitcast3A_156 : vector<16xi32>
        %max3A_165 = arith.maxsi %scan3A_142, %bitcast3A_161 : vector<16xi32>
        scf.yield %max3A_162, %max3A_163, %max3A_164, %max3A_165 : vector<16xi32>, vector<16xi32>, vector<16xi32>, vector<16xi32>
      }
      %scan3A_17 = arith.constant 128 : i32
      %min3A = arith.minsi %scan3A_16#0, %scan3A_16#1 : vector<16xi32>
      %min3A_18 = arith.minsi %scan3A_16#2, %scan3A_16#3 : vector<16xi32>
      %min3A_19 = arith.minsi %min3A, %min3A_18 : vector<16xi32>
      %reduce_min3A = arith.constant true
      %reduce_min3A_20 = vector.broadcast %reduce_min3A : i1 to vector<16xi1>
      %reduce_min3A_21 = arith.constant -2147483648 : i32
      %reduce_min3A_22 = vector.broadcast %reduce_min3A_21 : i32 to vector<16xi32>
      %reduce_min3A_23 = arith.xori %min3A_19, %reduce_min3A_22 : vector<16xi32>
      %reduce_min3A_24 = tpu.scan <min>, %reduce_min3A_23 masked %reduce_min3A_20 : vector<16xi32>, vector<16xi1> -> vector<16xi32>
      %reduce_min3A_25 = arith.xori %reduce_min3A_24, %reduce_min3A_22 : vector<16xi32>
      %reduce_min3A_26 = vector.extract %reduce_min3A_25[15] : i32 from vector<16xi32>
      %max3A = arith.maxsi %scan3A_16#0, %scan3A_16#1 : vector<16xi32>
      %max3A_27 = arith.maxsi %scan3A_16#2, %scan3A_16#3 : vector<16xi32>
      %max3A_28 = arith.maxsi %max3A, %max3A_27 : vector<16xi32>
      %reduce_max3A = arith.constant true
      %reduce_max3A_29 = vector.broadcast %reduce_max3A : i1 to vector<16xi1>
      %reduce_max3A_30 = arith.constant -2147483648 : i32
      %reduce_max3A_31 = vector.broadcast %reduce_max3A_30 : i32 to vector<16xi32>
      %reduce_max3A_32 = arith.xori %max3A_28, %reduce_max3A_31 : vector<16xi32>
      %reduce_max3A_33 = tpu.scan <max>, %reduce_max3A_32 masked %reduce_max3A_29 : vector<16xi32>, vector<16xi1> -> vector<16xi32>
      %reduce_max3A_34 = arith.xori %reduce_max3A_33, %reduce_max3A_31 : vector<16xi32>
      %reduce_max3A_35 = vector.extract %reduce_max3A_34[15] : i32 from vector<16xi32>
      %scan3A_36 = arith.constant 0 : i32
      %scan3A_37 = arith.constant 0 : i32
      %scan3A_38 = arith.constant 512 : i32
      %scan3A_39 = arith.addi %scan3A_37, %scan3A_38 : i32
      %scan3A_40 = arith.constant 4 : i32
      %scan3A_41 = scf.for %scan3A_138 = %scan3A_37 to %scan3A_39 step %scan3A_40 iter_args(%scan3A_139 = %scan3A_36) -> (i32)  : i32 {
        %mul3A = arith.constant 16 : i32
        %mul3A_140 = arith.muli %scan3A_138, %mul3A : i32
        %get3A = arith.index_cast %mul3A_140 : i32 to index
        %get3A_141 = tpu.vector_load %arg4[%get3A] {strides = array<i32>} : memref<8192xf32, #tpu.memory_space<vmem>>, vector<16xf32>,
        %bitcast3A = vector.bitcast %get3A_141 : vector<16xf32> to vector<16xi32>
        %ge3A = vector.broadcast %reduce_min3A_26 : i32 to vector<16xi32>
        %ge3A_142 = arith.cmpi sge, %bitcast3A, %ge3A : vector<16xi32>
        %mul3A_143 = arith.constant 16 : i32
        %mul3A_144 = arith.muli %scan3A_138, %mul3A_143 : i32
        %add3A_145 = vector.broadcast %mul3A_144 : i32 to vector<16xi32>
        %add3A_146 = arith.addi %iota3A, %add3A_145 : vector<16xi32>
        %swap3A = arith.index_cast %scan3A_139 : i32 to index
        %swap3A_147 = tpu.vector_load %arg5[%swap3A] masked %ge3A_142 {strides = array<i32>} : memref<8208xi32, #tpu.memory_space<vmem>>, vector<16xi32>, vector<16xi1>
        tpu.vector_store %arg5[%swap3A], %bitcast3A masked %ge3A_142 {strides = array<i32>} : memref<8208xi32, #tpu.memory_space<vmem>>, vector<16xi32>, vector<16xi1>
        %swap3A_148 = arith.index_cast %scan3A_139 : i32 to index
        %swap3A_149 = tpu.vector_load %arg6[%swap3A_148] masked %ge3A_142 {strides = array<i32>} : memref<8208xi32, #tpu.memory_space<vmem>>, vector<16xi32>, vector<16xi1>
        tpu.vector_store %arg6[%swap3A_148], %add3A_146 masked %ge3A_142 {strides = array<i32>} : memref<8208xi32, #tpu.memory_space<vmem>>, vector<16xi32>, vector<16xi1>
        %convert_element_type3A_150 = arith.extui %ge3A_142 : vector<16xi1> to vector<16xi32>
        %reduce_sum3A_151 = arith.constant true
        %reduce_sum3A_152 = vector.broadcast %reduce_sum3A_151 : i1 to vector<16xi1>
        %reduce_sum3A_153 = tpu.scan <sum>, %convert_element_type3A_150 masked %reduce_sum3A_152 : vector<16xi32>, vector<16xi1> -> vector<16xi32>
        %reduce_sum3A_154 = vector.extract %reduce_sum3A_153[15] : i32 from vector<16xi32>
        %add3A_155 = arith.addi %scan3A_139, %reduce_sum3A_154 : i32
        %scan3A_156 = arith.constant 1 : i32
        %scan3A_157 = arith.addi %scan3A_138, %scan3A_156 : i32
        %mul3A_158 = arith.constant 16 : i32
        %mul3A_159 = arith.muli %scan3A_157, %mul3A_158 : i32
        %get3A_160 = arith.index_cast %mul3A_159 : i32 to index
        %get3A_161 = tpu.vector_load %arg4[%get3A_160] {strides = array<i32>} : memref<8192xf32, #tpu.memory_space<vmem>>, vector<16xf32>,
        %bitcast3A_162 = vector.bitcast %get3A_161 : vector<16xf32> to vector<16xi32>
        %ge3A_163 = vector.broadcast %reduce_min3A_26 : i32 to vector<16xi32>
        %ge3A_164 = arith.cmpi sge, %bitcast3A_162, %ge3A_163 : vector<16xi32>
        %mul3A_165 = arith.constant 16 : i32
        %mul3A_166 = arith.muli %scan3A_157, %mul3A_165 : i32
        %add3A_167 = vector.broadcast %mul3A_166 : i32 to vector<16xi32>
        %add3A_168 = arith.addi %iota3A, %add3A_167 : vector<16xi32>
        %swap3A_169 = arith.index_cast %add3A_155 : i32 to index
        %swap3A_170 = tpu.vector_load %arg5[%swap3A_169] masked %ge3A_164 {strides = array<i32>} : memref<8208xi32, #tpu.memory_space<vmem>>, vector<16xi32>, vector<16xi1>
        tpu.vector_store %arg5[%swap3A_169], %bitcast3A_162 masked %ge3A_164 {strides = array<i32>} : memref<8208xi32, #tpu.memory_space<vmem>>, vector<16xi32>, vector<16xi1>
        %swap3A_171 = arith.index_cast %add3A_155 : i32 to index
        %swap3A_172 = tpu.vector_load %arg6[%swap3A_171] masked %ge3A_164 {strides = array<i32>} : memref<8208xi32, #tpu.memory_space<vmem>>, vector<16xi32>, vector<16xi1>
        tpu.vector_store %arg6[%swap3A_171], %add3A_168 masked %ge3A_164 {strides = array<i32>} : memref<8208xi32, #tpu.memory_space<vmem>>, vector<16xi32>, vector<16xi1>
        %convert_element_type3A_173 = arith.extui %ge3A_164 : vector<16xi1> to vector<16xi32>
        %reduce_sum3A_174 = arith.constant true
        %reduce_sum3A_175 = vector.broadcast %reduce_sum3A_174 : i1 to vector<16xi1>
        %reduce_sum3A_176 = tpu.scan <sum>, %convert_element_type3A_173 masked %reduce_sum3A_175 : vector<16xi32>, vector<16xi1> -> vector<16xi32>
        %reduce_sum3A_177 = vector.extract %reduce_sum3A_176[15] : i32 from vector<16xi32>
        %add3A_178 = arith.addi %add3A_155, %reduce_sum3A_177 : i32
        %scan3A_179 = arith.constant 2 : i32
        %scan3A_180 = arith.addi %scan3A_138, %scan3A_179 : i32
        %mul3A_181 = arith.constant 16 : i32
        %mul3A_182 = arith.muli %scan3A_180, %mul3A_181 : i32
        %get3A_183 = arith.index_cast %mul3A_182 : i32 to index
        %get3A_184 = tpu.vector_load %arg4[%get3A_183] {strides = array<i32>} : memref<8192xf32, #tpu.memory_space<vmem>>, vector<16xf32>,
        %bitcast3A_185 = vector.bitcast %get3A_184 : vector<16xf32> to vector<16xi32>
        %ge3A_186 = vector.broadcast %reduce_min3A_26 : i32 to vector<16xi32>
        %ge3A_187 = arith.cmpi sge, %bitcast3A_185, %ge3A_186 : vector<16xi32>
        %mul3A_188 = arith.constant 16 : i32
        %mul3A_189 = arith.muli %scan3A_180, %mul3A_188 : i32
        %add3A_190 = vector.broadcast %mul3A_189 : i32 to vector<16xi32>
        %add3A_191 = arith.addi %iota3A, %add3A_190 : vector<16xi32>
        %swap3A_192 = arith.index_cast %add3A_178 : i32 to index
        %swap3A_193 = tpu.vector_load %arg5[%swap3A_192] masked %ge3A_187 {strides = array<i32>} : memref<8208xi32, #tpu.memory_space<vmem>>, vector<16xi32>, vector<16xi1>
        tpu.vector_store %arg5[%swap3A_192], %bitcast3A_185 masked %ge3A_187 {strides = array<i32>} : memref<8208xi32, #tpu.memory_space<vmem>>, vector<16xi32>, vector<16xi1>
        %swap3A_194 = arith.index_cast %add3A_178 : i32 to index
        %swap3A_195 = tpu.vector_load %arg6[%swap3A_194] masked %ge3A_187 {strides = array<i32>} : memref<8208xi32, #tpu.memory_space<vmem>>, vector<16xi32>, vector<16xi1>
        tpu.vector_store %arg6[%swap3A_194], %add3A_191 masked %ge3A_187 {strides = array<i32>} : memref<8208xi32, #tpu.memory_space<vmem>>, vector<16xi32>, vector<16xi1>
        %convert_element_type3A_196 = arith.extui %ge3A_187 : vector<16xi1> to vector<16xi32>
        %reduce_sum3A_197 = arith.constant true
        %reduce_sum3A_198 = vector.broadcast %reduce_sum3A_197 : i1 to vector<16xi1>
        %reduce_sum3A_199 = tpu.scan <sum>, %convert_element_type3A_196 masked %reduce_sum3A_198 : vector<16xi32>, vector<16xi1> -> vector<16xi32>
        %reduce_sum3A_200 = vector.extract %reduce_sum3A_199[15] : i32 from vector<16xi32>
        %add3A_201 = arith.addi %add3A_178, %reduce_sum3A_200 : i32
        %scan3A_202 = arith.constant 3 : i32
        %scan3A_203 = arith.addi %scan3A_138, %scan3A_202 : i32
        %mul3A_204 = arith.constant 16 : i32
        %mul3A_205 = arith.muli %scan3A_203, %mul3A_204 : i32
        %get3A_206 = arith.index_cast %mul3A_205 : i32 to index
        %get3A_207 = tpu.vector_load %arg4[%get3A_206] {strides = array<i32>} : memref<8192xf32, #tpu.memory_space<vmem>>, vector<16xf32>,
        %bitcast3A_208 = vector.bitcast %get3A_207 : vector<16xf32> to vector<16xi32>
        %ge3A_209 = vector.broadcast %reduce_min3A_26 : i32 to vector<16xi32>
        %ge3A_210 = arith.cmpi sge, %bitcast3A_208, %ge3A_209 : vector<16xi32>
        %mul3A_211 = arith.constant 16 : i32
        %mul3A_212 = arith.muli %scan3A_203, %mul3A_211 : i32
        %add3A_213 = vector.broadcast %mul3A_212 : i32 to vector<16xi32>
        %add3A_214 = arith.addi %iota3A, %add3A_213 : vector<16xi32>
        %swap3A_215 = arith.index_cast %add3A_201 : i32 to index
        %swap3A_216 = tpu.vector_load %arg5[%swap3A_215] masked %ge3A_210 {strides = array<i32>} : memref<8208xi32, #tpu.memory_space<vmem>>, vector<16xi32>, vector<16xi1>
        tpu.vector_store %arg5[%swap3A_215], %bitcast3A_208 masked %ge3A_210 {strides = array<i32>} : memref<8208xi32, #tpu.memory_space<vmem>>, vector<16xi32>, vector<16xi1>
        %swap3A_217 = arith.index_cast %add3A_201 : i32 to index
        %swap3A_218 = tpu.vector_load %arg6[%swap3A_217] masked %ge3A_210 {strides = array<i32>} : memref<8208xi32, #tpu.memory_space<vmem>>, vector<16xi32>, vector<16xi1>
        tpu.vector_store %arg6[%swap3A_217], %add3A_214 masked %ge3A_210 {strides = array<i32>} : memref<8208xi32, #tpu.memory_space<vmem>>, vector<16xi32>, vector<16xi1>
        %convert_element_type3A_219 = arith.extui %ge3A_210 : vector<16xi1> to vector<16xi32>
        %reduce_sum3A_220 = arith.constant true
        %reduce_sum3A_221 = vector.broadcast %reduce_sum3A_220 : i1 to vector<16xi1>
        %reduce_sum3A_222 = tpu.scan <sum>, %convert_element_type3A_219 masked %reduce_sum3A_221 : vector<16xi32>, vector<16xi1> -> vector<16xi32>
        %reduce_sum3A_223 = vector.extract %reduce_sum3A_222[15] : i32 from vector<16xi32>
        %add3A_224 = arith.addi %add3A_201, %reduce_sum3A_223 : i32
        scf.yield %add3A_224 : i32
      }
      %scan3A_42 = arith.constant 512 : i32
      %add3A = arith.constant 1 : i32
      %add3A_43 = arith.addi %reduce_max3A_35, %add3A : i32
      %while3A = arith.constant 64 : i32
      %while3A_44:2 = scf.while (%while3A_138 = %reduce_min3A_26, %while3A_139 = %add3A_43) : (i32, i32) -> (i32, i32) {
        %sub3A_140 = arith.subi %while3A_139, %while3A_138 : i32
        %gt3A = arith.constant 1 : i32
        %gt3A_141 = arith.cmpi sgt, %sub3A_140, %gt3A : i32
        scf.condition(%gt3A_141) %while3A_138, %while3A_139 : i32, i32
      } do {
      ^bb0(%while3A_138: i32, %while3A_139: i32):
        %add3A_140 = arith.addi %while3A_138, %while3A_139 : i32
        %shift_right_arithmetic3A = arith.constant 1 : i32
        %shift_right_arithmetic3A_141 = arith.shrsi %add3A_140, %shift_right_arithmetic3A : i32
        %add3A_142 = arith.constant 16 : i32
        %add3A_143 = arith.addi %scan3A_41, %add3A_142 : i32
        %sub3A_144 = arith.constant 1 : i32
        %sub3A_145 = arith.subi %add3A_143, %sub3A_144 : i32
        %jit3A_146 = arith.constant 16 : i32
        %div3A_147 = arith.divsi %sub3A_145, %jit3A_146 : i32
        %sign3A_148 = arith.constant 0 : i32
        %sign3A_149 = arith.cmpi sgt, %sub3A_145, %sign3A_148 : i32
        %sign3A_150 = arith.extui %sign3A_149 : i1 to i32
        %sign3A_151 = arith.constant 0 : i32
        %sign3A_152 = arith.cmpi slt, %sub3A_145, %sign3A_151 : i32
        %sign3A_153 = arith.extui %sign3A_152 : i1 to i32
        %sign3A_154 = arith.subi %sign3A_150, %sign3A_153 : i32
        %sign3A_155 = arith.constant 0 : i32
        %sign3A_156 = arith.cmpi sgt, %jit3A_146, %sign3A_155 : i32
        %sign3A_157 = arith.extui %sign3A_156 : i1 to i32
        %sign3A_158 = arith.constant 0 : i32
        %sign3A_159 = arith.cmpi slt, %jit3A_146, %sign3A_158 : i32
        %sign3A_160 = arith.extui %sign3A_159 : i1 to i32
        %sign3A_161 = arith.subi %sign3A_157, %sign3A_160 : i32
        %ne3A_162 = arith.cmpi ne, %sign3A_154, %sign3A_161 : i32
        %rem3A_163 = arith.remsi %sub3A_145, %jit3A_146 : i32
        %ne3A_164 = arith.constant 0 : i32
        %ne3A_165 = arith.cmpi ne, %rem3A_163, %ne3A_164 : i32
        %and3A_166 = arith.andi %ne3A_162, %ne3A_165 : i1
        %sub3A_167 = arith.constant 1 : i32
        %sub3A_168 = arith.subi %div3A_147, %sub3A_167 : i32
        %select_n3A_169 = arith.select %and3A_166, %sub3A_168, %div3A_147 : i32
        %broadcast_in_dim3A_170 = arith.constant 0 : i32
        %broadcast_in_dim3A_171 = vector.broadcast %broadcast_in_dim3A_170 : i32 to vector<16xi32>
        %while3A_172 = arith.constant 0 : i32
        %while3A_173 = arith.subi %select_n3A_169, %while3A_172 : i32
        %while3A_174 = arith.addi %while3A_172, %while3A_173 : i32
        %while3A_175 = arith.constant 1 : i32
        %while3A_176 = arith.divsi %while3A_173, %while3A_175 : i32
        %while3A_177 = arith.muli %while3A_176, %while3A_175 : i32
        %while3A_178 = arith.addi %while3A_172, %while3A_177 : i32
        %while3A_179 = arith.constant 1 : i32
        %while3A_180 = scf.for %while3A_189 = %while3A_172 to %while3A_178 step %while3A_179 iter_args(%while3A_190 = %broadcast_in_dim3A_171) -> (vector<16xi32>)  : i32 {
          %mul3A = arith.constant 16 : i32
          %mul3A_191 = arith.muli %while3A_189, %mul3A : i32
          %get3A = arith.index_cast %mul3A_191 : i32 to index
          %get3A_192 = tpu.vector_load %arg5[%get3A] {strides = array<i32>} : memref<8208xi32, #tpu.memory_space<vmem>>, vector<16xi32>,
          %mul3A_193 = arith.constant 16 : i32
          %mul3A_194 = arith.muli %while3A_189, %mul3A_193 : i32
          %add3A_195 = vector.broadcast %mul3A_194 : i32 to vector<16xi32>
          %add3A_196 = arith.addi %iota3A, %add3A_195 : vector<16xi32>
          %lt3A = vector.broadcast %scan3A_41 : i32 to vector<16xi32>
          %lt3A_197 = arith.cmpi slt, %add3A_196, %lt3A : vector<16xi32>
          %ge3A_198 = vector.broadcast %shift_right_arithmetic3A_141 : i32 to vector<16xi32>
          %ge3A_199 = arith.cmpi sge, %get3A_192, %ge3A_198 : vector<16xi32>
          %and3A_200 = arith.andi %ge3A_199, %lt3A_197 : vector<16xi1>
          %convert_element_type3A_201 = arith.extui %and3A_200 : vector<16xi1> to vector<16xi32>
          %add3A_202 = arith.addi %while3A_190, %convert_element_type3A_201 : vector<16xi32>
          scf.yield %add3A_202 : vector<16xi32>
        }
        %while3A_181 = arith.constant 1 : i32
        %while3A_182 = scf.for %while3A_189 = %while3A_178 to %while3A_174 step %while3A_181 iter_args(%while3A_190 = %while3A_180) -> (vector<16xi32>)  : i32 {
          %mul3A = arith.constant 16 : i32
          %mul3A_191 = arith.muli %while3A_189, %mul3A : i32
          %get3A = arith.index_cast %mul3A_191 : i32 to index
          %get3A_192 = tpu.vector_load %arg5[%get3A] {strides = array<i32>} : memref<8208xi32, #tpu.memory_space<vmem>>, vector<16xi32>,
          %mul3A_193 = arith.constant 16 : i32
          %mul3A_194 = arith.muli %while3A_189, %mul3A_193 : i32
          %add3A_195 = vector.broadcast %mul3A_194 : i32 to vector<16xi32>
          %add3A_196 = arith.addi %iota3A, %add3A_195 : vector<16xi32>
          %lt3A = vector.broadcast %scan3A_41 : i32 to vector<16xi32>
          %lt3A_197 = arith.cmpi slt, %add3A_196, %lt3A : vector<16xi32>
          %ge3A_198 = vector.broadcast %shift_right_arithmetic3A_141 : i32 to vector<16xi32>
          %ge3A_199 = arith.cmpi sge, %get3A_192, %ge3A_198 : vector<16xi32>
          %and3A_200 = arith.andi %ge3A_199, %lt3A_197 : vector<16xi1>
          %convert_element_type3A_201 = arith.extui %and3A_200 : vector<16xi1> to vector<16xi32>
          %add3A_202 = arith.addi %while3A_190, %convert_element_type3A_201 : vector<16xi32>
          scf.yield %add3A_202 : vector<16xi32>
        }
        %reduce_sum3A_183 = arith.constant true
        %reduce_sum3A_184 = vector.broadcast %reduce_sum3A_183 : i1 to vector<16xi1>
        %reduce_sum3A_185 = tpu.scan <sum>, %while3A_182 masked %reduce_sum3A_184 : vector<16xi32>, vector<16xi1> -> vector<16xi32>
        %reduce_sum3A_186 = vector.extract %reduce_sum3A_185[15] : i32 from vector<16xi32>
        %ge3A = arith.cmpi sge, %reduce_sum3A_186, %while3A : i32
        %select_n3A_187 = arith.select %ge3A, %shift_right_arithmetic3A_141, %while3A_138 : i32
        %select_n3A_188 = arith.select %ge3A, %while3A_139, %shift_right_arithmetic3A_141 : i32
        scf.yield %select_n3A_187, %select_n3A_188 : i32, i32
      }
      %add3A_45 = arith.constant 16 : i32
      %add3A_46 = arith.addi %scan3A_41, %add3A_45 : i32
      %sub3A = arith.constant 1 : i32
      %sub3A_47 = arith.subi %add3A_46, %sub3A : i32
      %jit3A = arith.constant 16 : i32
      %div3A = arith.divsi %sub3A_47, %jit3A : i32
      %sign3A = arith.constant 0 : i32
      %sign3A_48 = arith.cmpi sgt, %sub3A_47, %sign3A : i32
      %sign3A_49 = arith.extui %sign3A_48 : i1 to i32
      %sign3A_50 = arith.constant 0 : i32
      %sign3A_51 = arith.cmpi slt, %sub3A_47, %sign3A_50 : i32
      %sign3A_52 = arith.extui %sign3A_51 : i1 to i32
      %sign3A_53 = arith.subi %sign3A_49, %sign3A_52 : i32
      %sign3A_54 = arith.constant 0 : i32
      %sign3A_55 = arith.cmpi sgt, %jit3A, %sign3A_54 : i32
      %sign3A_56 = arith.extui %sign3A_55 : i1 to i32
      %sign3A_57 = arith.constant 0 : i32
      %sign3A_58 = arith.cmpi slt, %jit3A, %sign3A_57 : i32
      %sign3A_59 = arith.extui %sign3A_58 : i1 to i32
      %sign3A_60 = arith.subi %sign3A_56, %sign3A_59 : i32
      %ne3A = arith.cmpi ne, %sign3A_53, %sign3A_60 : i32
      %rem3A = arith.remsi %sub3A_47, %jit3A : i32
      %ne3A_61 = arith.constant 0 : i32
      %ne3A_62 = arith.cmpi ne, %rem3A, %ne3A_61 : i32
      %and3A = arith.andi %ne3A, %ne3A_62 : i1
      %sub3A_63 = arith.constant 1 : i32
      %sub3A_64 = arith.subi %div3A, %sub3A_63 : i32
      %select_n3A = arith.select %and3A, %sub3A_64, %div3A : i32
      %broadcast_in_dim3A_65 = arith.constant 0 : i32
      %broadcast_in_dim3A_66 = vector.broadcast %broadcast_in_dim3A_65 : i32 to vector<16xi32>
      %while3A_67 = arith.constant 0 : i32
      %while3A_68 = arith.subi %select_n3A, %while3A_67 : i32
      %while3A_69 = arith.addi %while3A_67, %while3A_68 : i32
      %while3A_70 = arith.constant 1 : i32
      %while3A_71 = arith.divsi %while3A_68, %while3A_70 : i32
      %while3A_72 = arith.muli %while3A_71, %while3A_70 : i32
      %while3A_73 = arith.addi %while3A_67, %while3A_72 : i32
      %while3A_74 = arith.constant 1 : i32
      %while3A_75 = scf.for %while3A_138 = %while3A_67 to %while3A_73 step %while3A_74 iter_args(%while3A_139 = %broadcast_in_dim3A_66) -> (vector<16xi32>)  : i32 {
        %mul3A = arith.constant 16 : i32
        %mul3A_140 = arith.muli %while3A_138, %mul3A : i32
        %get3A = arith.index_cast %mul3A_140 : i32 to index
        %get3A_141 = tpu.vector_load %arg5[%get3A] {strides = array<i32>} : memref<8208xi32, #tpu.memory_space<vmem>>, vector<16xi32>,
        %mul3A_142 = arith.constant 16 : i32
        %mul3A_143 = arith.muli %while3A_138, %mul3A_142 : i32
        %add3A_144 = vector.broadcast %mul3A_143 : i32 to vector<16xi32>
        %add3A_145 = arith.addi %iota3A, %add3A_144 : vector<16xi32>
        %lt3A = vector.broadcast %scan3A_41 : i32 to vector<16xi32>
        %lt3A_146 = arith.cmpi slt, %add3A_145, %lt3A : vector<16xi32>
        %gt3A = vector.broadcast %while3A_44#0 : i32 to vector<16xi32>
        %gt3A_147 = arith.cmpi sgt, %get3A_141, %gt3A : vector<16xi32>
        %and3A_148 = arith.andi %gt3A_147, %lt3A_146 : vector<16xi1>
        %convert_element_type3A_149 = arith.extui %and3A_148 : vector<16xi1> to vector<16xi32>
        %add3A_150 = arith.addi %while3A_139, %convert_element_type3A_149 : vector<16xi32>
        scf.yield %add3A_150 : vector<16xi32>
      }
      %while3A_76 = arith.constant 1 : i32
      %while3A_77 = scf.for %while3A_138 = %while3A_73 to %while3A_69 step %while3A_76 iter_args(%while3A_139 = %while3A_75) -> (vector<16xi32>)  : i32 {
        %mul3A = arith.constant 16 : i32
        %mul3A_140 = arith.muli %while3A_138, %mul3A : i32
        %get3A = arith.index_cast %mul3A_140 : i32 to index
        %get3A_141 = tpu.vector_load %arg5[%get3A] {strides = array<i32>} : memref<8208xi32, #tpu.memory_space<vmem>>, vector<16xi32>,
        %mul3A_142 = arith.constant 16 : i32
        %mul3A_143 = arith.muli %while3A_138, %mul3A_142 : i32
        %add3A_144 = vector.broadcast %mul3A_143 : i32 to vector<16xi32>
        %add3A_145 = arith.addi %iota3A, %add3A_144 : vector<16xi32>
        %lt3A = vector.broadcast %scan3A_41 : i32 to vector<16xi32>
        %lt3A_146 = arith.cmpi slt, %add3A_145, %lt3A : vector<16xi32>
        %gt3A = vector.broadcast %while3A_44#0 : i32 to vector<16xi32>
        %gt3A_147 = arith.cmpi sgt, %get3A_141, %gt3A : vector<16xi32>
        %and3A_148 = arith.andi %gt3A_147, %lt3A_146 : vector<16xi1>
        %convert_element_type3A_149 = arith.extui %and3A_148 : vector<16xi1> to vector<16xi32>
        %add3A_150 = arith.addi %while3A_139, %convert_element_type3A_149 : vector<16xi32>
        scf.yield %add3A_150 : vector<16xi32>
      }
      %reduce_sum3A = arith.constant true
      %reduce_sum3A_78 = vector.broadcast %reduce_sum3A : i1 to vector<16xi1>
      %reduce_sum3A_79 = tpu.scan <sum>, %while3A_77 masked %reduce_sum3A_78 : vector<16xi32>, vector<16xi1> -> vector<16xi32>
      %reduce_sum3A_80 = vector.extract %reduce_sum3A_79[15] : i32 from vector<16xi32>
      %sub3A_81 = arith.constant 64 : i32
      %sub3A_82 = arith.subi %sub3A_81, %reduce_sum3A_80 : i32
      %while3A_83 = arith.constant 0 : i32
      %while3A_84 = arith.constant 8193 : i32
      %while3A_85:2 = scf.while (%while3A_138 = %while3A_83, %while3A_139 = %while3A_84) : (i32, i32) -> (i32, i32) {
        %sub3A_140 = arith.subi %while3A_139, %while3A_138 : i32
        %gt3A = arith.constant 1 : i32
        %gt3A_141 = arith.cmpi sgt, %sub3A_140, %gt3A : i32
        scf.condition(%gt3A_141) %while3A_138, %while3A_139 : i32, i32
      } do {
      ^bb0(%while3A_138: i32, %while3A_139: i32):
        %add3A_140 = arith.addi %while3A_138, %while3A_139 : i32
        %shift_right_arithmetic3A = arith.constant 1 : i32
        %shift_right_arithmetic3A_141 = arith.shrsi %add3A_140, %shift_right_arithmetic3A : i32
        %broadcast_in_dim3A_142 = arith.constant 0 : i32
        %broadcast_in_dim3A_143 = vector.broadcast %broadcast_in_dim3A_142 : i32 to vector<16xi32>
        %while3A_144 = arith.constant 0 : i32
        %while3A_145 = arith.subi %select_n3A, %while3A_144 : i32
        %while3A_146 = arith.addi %while3A_144, %while3A_145 : i32
        %while3A_147 = arith.constant 1 : i32
        %while3A_148 = arith.divsi %while3A_145, %while3A_147 : i32
        %while3A_149 = arith.muli %while3A_148, %while3A_147 : i32
        %while3A_150 = arith.addi %while3A_144, %while3A_149 : i32
        %while3A_151 = arith.constant 1 : i32
        %while3A_152 = scf.for %while3A_161 = %while3A_144 to %while3A_150 step %while3A_151 iter_args(%while3A_162 = %broadcast_in_dim3A_143) -> (vector<16xi32>)  : i32 {
          %mul3A = arith.constant 16 : i32
          %mul3A_163 = arith.muli %while3A_161, %mul3A : i32
          %get3A = arith.index_cast %mul3A_163 : i32 to index
          %get3A_164 = tpu.vector_load %arg5[%get3A] {strides = array<i32>} : memref<8208xi32, #tpu.memory_space<vmem>>, vector<16xi32>,
          %mul3A_165 = arith.constant 16 : i32
          %mul3A_166 = arith.muli %while3A_161, %mul3A_165 : i32
          %get3A_167 = arith.index_cast %mul3A_166 : i32 to index
          %get3A_168 = tpu.vector_load %arg6[%get3A_167] {strides = array<i32>} : memref<8208xi32, #tpu.memory_space<vmem>>, vector<16xi32>,
          %mul3A_169 = arith.constant 16 : i32
          %mul3A_170 = arith.muli %while3A_161, %mul3A_169 : i32
          %add3A_171 = vector.broadcast %mul3A_170 : i32 to vector<16xi32>
          %add3A_172 = arith.addi %iota3A, %add3A_171 : vector<16xi32>
          %lt3A = vector.broadcast %scan3A_41 : i32 to vector<16xi32>
          %lt3A_173 = arith.cmpi slt, %add3A_172, %lt3A : vector<16xi32>
          %eq3A_174 = vector.broadcast %while3A_44#0 : i32 to vector<16xi32>
          %eq3A_175 = arith.cmpi eq, %get3A_164, %eq3A_174 : vector<16xi32>
          %lt3A_176 = vector.broadcast %shift_right_arithmetic3A_141 : i32 to vector<16xi32>
          %lt3A_177 = arith.cmpi slt, %get3A_168, %lt3A_176 : vector<16xi32>
          %and3A_178 = arith.andi %eq3A_175, %lt3A_177 : vector<16xi1>
          %and3A_179 = arith.andi %and3A_178, %lt3A_173 : vector<16xi1>
          %convert_element_type3A_180 = arith.extui %and3A_179 : vector<16xi1> to vector<16xi32>
          %add3A_181 = arith.addi %while3A_162, %convert_element_type3A_180 : vector<16xi32>
          scf.yield %add3A_181 : vector<16xi32>
        }
        %while3A_153 = arith.constant 1 : i32
        %while3A_154 = scf.for %while3A_161 = %while3A_150 to %while3A_146 step %while3A_153 iter_args(%while3A_162 = %while3A_152) -> (vector<16xi32>)  : i32 {
          %mul3A = arith.constant 16 : i32
          %mul3A_163 = arith.muli %while3A_161, %mul3A : i32
          %get3A = arith.index_cast %mul3A_163 : i32 to index
          %get3A_164 = tpu.vector_load %arg5[%get3A] {strides = array<i32>} : memref<8208xi32, #tpu.memory_space<vmem>>, vector<16xi32>,
          %mul3A_165 = arith.constant 16 : i32
          %mul3A_166 = arith.muli %while3A_161, %mul3A_165 : i32
          %get3A_167 = arith.index_cast %mul3A_166 : i32 to index
          %get3A_168 = tpu.vector_load %arg6[%get3A_167] {strides = array<i32>} : memref<8208xi32, #tpu.memory_space<vmem>>, vector<16xi32>,
          %mul3A_169 = arith.constant 16 : i32
          %mul3A_170 = arith.muli %while3A_161, %mul3A_169 : i32
          %add3A_171 = vector.broadcast %mul3A_170 : i32 to vector<16xi32>
          %add3A_172 = arith.addi %iota3A, %add3A_171 : vector<16xi32>
          %lt3A = vector.broadcast %scan3A_41 : i32 to vector<16xi32>
          %lt3A_173 = arith.cmpi slt, %add3A_172, %lt3A : vector<16xi32>
          %eq3A_174 = vector.broadcast %while3A_44#0 : i32 to vector<16xi32>
          %eq3A_175 = arith.cmpi eq, %get3A_164, %eq3A_174 : vector<16xi32>
          %lt3A_176 = vector.broadcast %shift_right_arithmetic3A_141 : i32 to vector<16xi32>
          %lt3A_177 = arith.cmpi slt, %get3A_168, %lt3A_176 : vector<16xi32>
          %and3A_178 = arith.andi %eq3A_175, %lt3A_177 : vector<16xi1>
          %and3A_179 = arith.andi %and3A_178, %lt3A_173 : vector<16xi1>
          %convert_element_type3A_180 = arith.extui %and3A_179 : vector<16xi1> to vector<16xi32>
          %add3A_181 = arith.addi %while3A_162, %convert_element_type3A_180 : vector<16xi32>
          scf.yield %add3A_181 : vector<16xi32>
        }
        %reduce_sum3A_155 = arith.constant true
        %reduce_sum3A_156 = vector.broadcast %reduce_sum3A_155 : i1 to vector<16xi1>
        %reduce_sum3A_157 = tpu.scan <sum>, %while3A_154 masked %reduce_sum3A_156 : vector<16xi32>, vector<16xi1> -> vector<16xi32>
        %reduce_sum3A_158 = vector.extract %reduce_sum3A_157[15] : i32 from vector<16xi32>
        %le3A = arith.cmpi sle, %reduce_sum3A_158, %sub3A_82 : i32
        %select_n3A_159 = arith.select %le3A, %shift_right_arithmetic3A_141, %while3A_138 : i32
        %select_n3A_160 = arith.select %le3A, %while3A_139, %shift_right_arithmetic3A_141 : i32
        scf.yield %select_n3A_159, %select_n3A_160 : i32, i32
      }
      %scan3A_86 = arith.constant 0 : i32
      %scan3A_87 = arith.constant 0 : i32
      %scan3A_88 = arith.constant 512 : i32
      %scan3A_89 = arith.addi %scan3A_87, %scan3A_88 : i32
      %scan3A_90 = arith.constant 4 : i32
      %scan3A_91 = scf.for %scan3A_138 = %scan3A_87 to %scan3A_89 step %scan3A_90 iter_args(%scan3A_139 = %scan3A_86) -> (i32)  : i32 {
        %broadcast_in_dim3A_140 = arith.constant 0.000000e+00 : f32
        %broadcast_in_dim3A_141 = vector.broadcast %broadcast_in_dim3A_140 : f32 to vector<16xf32>
        %mul3A = arith.constant 16 : i32
        %mul3A_142 = arith.muli %scan3A_138, %mul3A : i32
        %swap3A = arith.index_cast %mul3A_142 : i32 to index
        %swap3A_143 = tpu.vector_load %arg7[%swap3A] {strides = array<i32>} : memref<8192xf32, #tpu.memory_space<vmem>>, vector<16xf32>,
        tpu.vector_store %arg7[%swap3A], %broadcast_in_dim3A_141 {strides = array<i32>} : memref<8192xf32, #tpu.memory_space<vmem>>, vector<16xf32>,
        %scan3A_144 = arith.constant 0 : i32
        %scan3A_145 = arith.constant 1 : i32
        %scan3A_146 = arith.addi %scan3A_138, %scan3A_145 : i32
        %broadcast_in_dim3A_147 = arith.constant 0.000000e+00 : f32
        %broadcast_in_dim3A_148 = vector.broadcast %broadcast_in_dim3A_147 : f32 to vector<16xf32>
        %mul3A_149 = arith.constant 16 : i32
        %mul3A_150 = arith.muli %scan3A_146, %mul3A_149 : i32
        %swap3A_151 = arith.index_cast %mul3A_150 : i32 to index
        %swap3A_152 = tpu.vector_load %arg7[%swap3A_151] {strides = array<i32>} : memref<8192xf32, #tpu.memory_space<vmem>>, vector<16xf32>,
        tpu.vector_store %arg7[%swap3A_151], %broadcast_in_dim3A_148 {strides = array<i32>} : memref<8192xf32, #tpu.memory_space<vmem>>, vector<16xf32>,
        %scan3A_153 = arith.constant 0 : i32
        %scan3A_154 = arith.constant 2 : i32
        %scan3A_155 = arith.addi %scan3A_138, %scan3A_154 : i32
        %broadcast_in_dim3A_156 = arith.constant 0.000000e+00 : f32
        %broadcast_in_dim3A_157 = vector.broadcast %broadcast_in_dim3A_156 : f32 to vector<16xf32>
        %mul3A_158 = arith.constant 16 : i32
        %mul3A_159 = arith.muli %scan3A_155, %mul3A_158 : i32
        %swap3A_160 = arith.index_cast %mul3A_159 : i32 to index
        %swap3A_161 = tpu.vector_load %arg7[%swap3A_160] {strides = array<i32>} : memref<8192xf32, #tpu.memory_space<vmem>>, vector<16xf32>,
        tpu.vector_store %arg7[%swap3A_160], %broadcast_in_dim3A_157 {strides = array<i32>} : memref<8192xf32, #tpu.memory_space<vmem>>, vector<16xf32>,
        %scan3A_162 = arith.constant 0 : i32
        %scan3A_163 = arith.constant 3 : i32
        %scan3A_164 = arith.addi %scan3A_138, %scan3A_163 : i32
        %broadcast_in_dim3A_165 = arith.constant 0.000000e+00 : f32
        %broadcast_in_dim3A_166 = vector.broadcast %broadcast_in_dim3A_165 : f32 to vector<16xf32>
        %mul3A_167 = arith.constant 16 : i32
        %mul3A_168 = arith.muli %scan3A_164, %mul3A_167 : i32
        %swap3A_169 = arith.index_cast %mul3A_168 : i32 to index
        %swap3A_170 = tpu.vector_load %arg7[%swap3A_169] {strides = array<i32>} : memref<8192xf32, #tpu.memory_space<vmem>>, vector<16xf32>,
        tpu.vector_store %arg7[%swap3A_169], %broadcast_in_dim3A_166 {strides = array<i32>} : memref<8192xf32, #tpu.memory_space<vmem>>, vector<16xf32>,
        %scan3A_171 = arith.constant 0 : i32
        scf.yield %scan3A_171 : i32
      }
      %scan3A_92 = arith.constant 512 : i32
      %broadcast_in_dim3A_93 = arith.constant 0.000000e+00 : f32
      %broadcast_in_dim3A_94 = vector.broadcast %broadcast_in_dim3A_93 : f32 to vector<16xf32>
      %while3A_95 = arith.constant 0 : i32
      %while3A_96 = arith.subi %select_n3A, %while3A_95 : i32
      %while3A_97 = arith.addi %while3A_95, %while3A_96 : i32
      %while3A_98 = arith.constant 1 : i32
      %while3A_99 = arith.divsi %while3A_96, %while3A_98 : i32
      %while3A_100 = arith.muli %while3A_99, %while3A_98 : i32
      %while3A_101 = arith.addi %while3A_95, %while3A_100 : i32
      %while3A_102 = arith.constant 1 : i32
      %while3A_103 = scf.for %while3A_138 = %while3A_95 to %while3A_101 step %while3A_102 iter_args(%while3A_139 = %broadcast_in_dim3A_94) -> (vector<16xf32>)  : i32 {
        %mul3A = arith.constant 16 : i32
        %mul3A_140 = arith.muli %while3A_138, %mul3A : i32
        %get3A = arith.index_cast %mul3A_140 : i32 to index
        %get3A_141 = tpu.vector_load %arg5[%get3A] {strides = array<i32>} : memref<8208xi32, #tpu.memory_space<vmem>>, vector<16xi32>,
        %mul3A_142 = arith.constant 16 : i32
        %mul3A_143 = arith.muli %while3A_138, %mul3A_142 : i32
        %get3A_144 = arith.index_cast %mul3A_143 : i32 to index
        %get3A_145 = tpu.vector_load %arg6[%get3A_144] {strides = array<i32>} : memref<8208xi32, #tpu.memory_space<vmem>>, vector<16xi32>,
        %mul3A_146 = arith.constant 16 : i32
        %mul3A_147 = arith.muli %while3A_138, %mul3A_146 : i32
        %add3A_148 = vector.broadcast %mul3A_147 : i32 to vector<16xi32>
        %add3A_149 = arith.addi %iota3A, %add3A_148 : vector<16xi32>
        %lt3A = vector.broadcast %scan3A_41 : i32 to vector<16xi32>
        %lt3A_150 = arith.cmpi slt, %add3A_149, %lt3A : vector<16xi32>
        %gt3A = vector.broadcast %while3A_44#0 : i32 to vector<16xi32>
        %gt3A_151 = arith.cmpi sgt, %get3A_141, %gt3A : vector<16xi32>
        %eq3A_152 = vector.broadcast %while3A_44#0 : i32 to vector<16xi32>
        %eq3A_153 = arith.cmpi eq, %get3A_141, %eq3A_152 : vector<16xi32>
        %lt3A_154 = vector.broadcast %while3A_85#0 : i32 to vector<16xi32>
        %lt3A_155 = arith.cmpi slt, %get3A_145, %lt3A_154 : vector<16xi32>
        %and3A_156 = arith.andi %eq3A_153, %lt3A_155 : vector<16xi1>
        %or3A = arith.ori %gt3A_151, %and3A_156 : vector<16xi1>
        %and3A_157 = arith.andi %or3A, %lt3A_150 : vector<16xi1>
        %bitcast3A = vector.bitcast %get3A_141 : vector<16xi32> to vector<16xf32>
        %mul3A_158 = arith.constant 2.000000e+00 : f32
        %mul3A_159 = vector.broadcast %mul3A_158 : f32 to vector<16xf32>
        %mul3A_160 = arith.mulf %bitcast3A, %mul3A_159 : vector<16xf32>
        %exp3A = math.exp %mul3A_160 : vector<16xf32>
        %jit3A_161 = arith.constant 0.000000e+00 : f32
        %broadcast_in_dim3A_162 = vector.broadcast %jit3A_161 : f32 to vector<16xf32>
        %select_n3A_163 = arith.select %and3A_157, %exp3A, %broadcast_in_dim3A_162 : vector<16xi1>, vector<16xf32>
        %add3A_164 = arith.addf %while3A_139, %select_n3A_163 : vector<16xf32>
        scf.yield %add3A_164 : vector<16xf32>
      }
      %while3A_104 = arith.constant 1 : i32
      %while3A_105 = scf.for %while3A_138 = %while3A_101 to %while3A_97 step %while3A_104 iter_args(%while3A_139 = %while3A_103) -> (vector<16xf32>)  : i32 {
        %mul3A = arith.constant 16 : i32
        %mul3A_140 = arith.muli %while3A_138, %mul3A : i32
        %get3A = arith.index_cast %mul3A_140 : i32 to index
        %get3A_141 = tpu.vector_load %arg5[%get3A] {strides = array<i32>} : memref<8208xi32, #tpu.memory_space<vmem>>, vector<16xi32>,
        %mul3A_142 = arith.constant 16 : i32
        %mul3A_143 = arith.muli %while3A_138, %mul3A_142 : i32
        %get3A_144 = arith.index_cast %mul3A_143 : i32 to index
        %get3A_145 = tpu.vector_load %arg6[%get3A_144] {strides = array<i32>} : memref<8208xi32, #tpu.memory_space<vmem>>, vector<16xi32>,
        %mul3A_146 = arith.constant 16 : i32
        %mul3A_147 = arith.muli %while3A_138, %mul3A_146 : i32
        %add3A_148 = vector.broadcast %mul3A_147 : i32 to vector<16xi32>
        %add3A_149 = arith.addi %iota3A, %add3A_148 : vector<16xi32>
        %lt3A = vector.broadcast %scan3A_41 : i32 to vector<16xi32>
        %lt3A_150 = arith.cmpi slt, %add3A_149, %lt3A : vector<16xi32>
        %gt3A = vector.broadcast %while3A_44#0 : i32 to vector<16xi32>
        %gt3A_151 = arith.cmpi sgt, %get3A_141, %gt3A : vector<16xi32>
        %eq3A_152 = vector.broadcast %while3A_44#0 : i32 to vector<16xi32>
        %eq3A_153 = arith.cmpi eq, %get3A_141, %eq3A_152 : vector<16xi32>
        %lt3A_154 = vector.broadcast %while3A_85#0 : i32 to vector<16xi32>
        %lt3A_155 = arith.cmpi slt, %get3A_145, %lt3A_154 : vector<16xi32>
        %and3A_156 = arith.andi %eq3A_153, %lt3A_155 : vector<16xi1>
        %or3A = arith.ori %gt3A_151, %and3A_156 : vector<16xi1>
        %and3A_157 = arith.andi %or3A, %lt3A_150 : vector<16xi1>
        %bitcast3A = vector.bitcast %get3A_141 : vector<16xi32> to vector<16xf32>
        %mul3A_158 = arith.constant 2.000000e+00 : f32
        %mul3A_159 = vector.broadcast %mul3A_158 : f32 to vector<16xf32>
        %mul3A_160 = arith.mulf %bitcast3A, %mul3A_159 : vector<16xf32>
        %exp3A = math.exp %mul3A_160 : vector<16xf32>
        %jit3A_161 = arith.constant 0.000000e+00 : f32
        %broadcast_in_dim3A_162 = vector.broadcast %jit3A_161 : f32 to vector<16xf32>
        %select_n3A_163 = arith.select %and3A_157, %exp3A, %broadcast_in_dim3A_162 : vector<16xi1>, vector<16xf32>
        %add3A_164 = arith.addf %while3A_139, %select_n3A_163 : vector<16xf32>
        scf.yield %add3A_164 : vector<16xf32>
      }
      %broadcast_in_dim3A_106 = arith.constant 1.000000e+00 : f32
      %broadcast_in_dim3A_107 = vector.broadcast %broadcast_in_dim3A_106 : f32 to vector<16xf32>
      %reduce_sum3A_108 = arith.constant true
      %reduce_sum3A_109 = vector.broadcast %reduce_sum3A_108 : i1 to vector<16xi1>
      %reduce_sum3A_110 = tpu.scan <sum>, %while3A_105 masked %reduce_sum3A_109 : vector<16xf32>, vector<16xi1> -> vector<16xf32>
      %reduce_sum3A_111 = vector.extract %reduce_sum3A_110[15] : f32 from vector<16xf32>
      %broadcast_in_dim3A_112 = vector.broadcast %reduce_sum3A_111 : f32 to vector<16xf32>
      %div3A_113 = arith.divf %broadcast_in_dim3A_107, %broadcast_in_dim3A_112 : vector<16xf32>
      %while3A_114 = arith.constant 0 : i32
      %while3A_115 = arith.constant 0 : i32
      %while3A_116 = arith.subi %select_n3A, %while3A_114 : i32
      %while3A_117 = arith.addi %while3A_114, %while3A_116 : i32
      %while3A_118 = arith.constant 1 : i32
      %while3A_119 = arith.divsi %while3A_116, %while3A_118 : i32
      %while3A_120 = arith.muli %while3A_119, %while3A_118 : i32
      %while3A_121 = arith.addi %while3A_114, %while3A_120 : i32
      %while3A_122 = arith.constant 1 : i32
      %while3A_123 = scf.for %while3A_138 = %while3A_114 to %while3A_121 step %while3A_122 iter_args(%while3A_139 = %while3A_115) -> (i32)  : i32 {
        %mul3A = arith.constant 16 : i32
        %mul3A_140 = arith.muli %while3A_138, %mul3A : i32
        %get3A = arith.index_cast %mul3A_140 : i32 to index
        %get3A_141 = tpu.vector_load %arg5[%get3A] {strides = array<i32>} : memref<8208xi32, #tpu.memory_space<vmem>>, vector<16xi32>,
        %mul3A_142 = arith.constant 16 : i32
        %mul3A_143 = arith.muli %while3A_138, %mul3A_142 : i32
        %get3A_144 = arith.index_cast %mul3A_143 : i32 to index
        %get3A_145 = tpu.vector_load %arg6[%get3A_144] {strides = array<i32>} : memref<8208xi32, #tpu.memory_space<vmem>>, vector<16xi32>,
        %mul3A_146 = arith.constant 16 : i32
        %mul3A_147 = arith.muli %while3A_138, %mul3A_146 : i32
        %add3A_148 = vector.broadcast %mul3A_147 : i32 to vector<16xi32>
        %add3A_149 = arith.addi %iota3A, %add3A_148 : vector<16xi32>
        %lt3A = vector.broadcast %scan3A_41 : i32 to vector<16xi32>
        %lt3A_150 = arith.cmpi slt, %add3A_149, %lt3A : vector<16xi32>
        %gt3A = vector.broadcast %while3A_44#0 : i32 to vector<16xi32>
        %gt3A_151 = arith.cmpi sgt, %get3A_141, %gt3A : vector<16xi32>
        %eq3A_152 = vector.broadcast %while3A_44#0 : i32 to vector<16xi32>
        %eq3A_153 = arith.cmpi eq, %get3A_141, %eq3A_152 : vector<16xi32>
        %lt3A_154 = vector.broadcast %while3A_85#0 : i32 to vector<16xi32>
        %lt3A_155 = arith.cmpi slt, %get3A_145, %lt3A_154 : vector<16xi32>
        %and3A_156 = arith.andi %eq3A_153, %lt3A_155 : vector<16xi1>
        %or3A = arith.ori %gt3A_151, %and3A_156 : vector<16xi1>
        %and3A_157 = arith.andi %or3A, %lt3A_150 : vector<16xi1>
        %bitcast3A = vector.bitcast %get3A_141 : vector<16xi32> to vector<16xf32>
        %mul3A_158 = arith.constant 2.000000e+00 : f32
        %mul3A_159 = vector.broadcast %mul3A_158 : f32 to vector<16xf32>
        %mul3A_160 = arith.mulf %bitcast3A, %mul3A_159 : vector<16xf32>
        %exp3A = math.exp %mul3A_160 : vector<16xf32>
        %mul3A_161 = arith.mulf %exp3A, %div3A_113 : vector<16xf32>
        tpu.vector_store_idx %arg7[%get3A_145], %mul3A_161 masked %and3A_157 : memref<8192xf32, #tpu.memory_space<vmem>>[vector<16xi32>], vector<16xf32>, vector<16xi1>
        %while3A_162 = arith.constant 0 : i32
        scf.yield %while3A_162 : i32
      }
      %while3A_124 = arith.constant 1 : i32
      %while3A_125 = scf.for %while3A_138 = %while3A_121 to %while3A_117 step %while3A_124 iter_args(%while3A_139 = %while3A_123) -> (i32)  : i32 {
        %mul3A = arith.constant 16 : i32
        %mul3A_140 = arith.muli %while3A_138, %mul3A : i32
        %get3A = arith.index_cast %mul3A_140 : i32 to index
        %get3A_141 = tpu.vector_load %arg5[%get3A] {strides = array<i32>} : memref<8208xi32, #tpu.memory_space<vmem>>, vector<16xi32>,
        %mul3A_142 = arith.constant 16 : i32
        %mul3A_143 = arith.muli %while3A_138, %mul3A_142 : i32
        %get3A_144 = arith.index_cast %mul3A_143 : i32 to index
        %get3A_145 = tpu.vector_load %arg6[%get3A_144] {strides = array<i32>} : memref<8208xi32, #tpu.memory_space<vmem>>, vector<16xi32>,
        %mul3A_146 = arith.constant 16 : i32
        %mul3A_147 = arith.muli %while3A_138, %mul3A_146 : i32
        %add3A_148 = vector.broadcast %mul3A_147 : i32 to vector<16xi32>
        %add3A_149 = arith.addi %iota3A, %add3A_148 : vector<16xi32>
        %lt3A = vector.broadcast %scan3A_41 : i32 to vector<16xi32>
        %lt3A_150 = arith.cmpi slt, %add3A_149, %lt3A : vector<16xi32>
        %gt3A = vector.broadcast %while3A_44#0 : i32 to vector<16xi32>
        %gt3A_151 = arith.cmpi sgt, %get3A_141, %gt3A : vector<16xi32>
        %eq3A_152 = vector.broadcast %while3A_44#0 : i32 to vector<16xi32>
        %eq3A_153 = arith.cmpi eq, %get3A_141, %eq3A_152 : vector<16xi32>
        %lt3A_154 = vector.broadcast %while3A_85#0 : i32 to vector<16xi32>
        %lt3A_155 = arith.cmpi slt, %get3A_145, %lt3A_154 : vector<16xi32>
        %and3A_156 = arith.andi %eq3A_153, %lt3A_155 : vector<16xi1>
        %or3A = arith.ori %gt3A_151, %and3A_156 : vector<16xi1>
        %and3A_157 = arith.andi %or3A, %lt3A_150 : vector<16xi1>
        %bitcast3A = vector.bitcast %get3A_141 : vector<16xi32> to vector<16xf32>
        %mul3A_158 = arith.constant 2.000000e+00 : f32
        %mul3A_159 = vector.broadcast %mul3A_158 : f32 to vector<16xf32>
        %mul3A_160 = arith.mulf %bitcast3A, %mul3A_159 : vector<16xf32>
        %exp3A = math.exp %mul3A_160 : vector<16xf32>
        %mul3A_161 = arith.mulf %exp3A, %div3A_113 : vector<16xf32>
        tpu.vector_store_idx %arg7[%get3A_145], %mul3A_161 masked %and3A_157 : memref<8192xf32, #tpu.memory_space<vmem>>[vector<16xi32>], vector<16xf32>, vector<16xi1>
        %while3A_162 = arith.constant 0 : i32
        scf.yield %while3A_162 : i32
      }
      %dma_start3A_126 = arith.constant 0 : i32
      %dma_start3A_127 = tpu.memref_slice %arg3[%arg1, %dma_start3A_126] : memref<16x8192xf32, #tpu.memory_space<hbm>> -> memref<1x8192xf32, #tpu.memory_space<hbm>>
      %dma_start3A_128 = tpu.memref_squeeze %dma_start3A_127 : memref<1x8192xf32, #tpu.memory_space<hbm>> -> memref<8192xf32, #tpu.memory_space<hbm>>
      %dma_start3A_129 = arith.constant 0 : i32
      %dma_start3A_130 = tpu.memref_slice %arg3[%arg1, %dma_start3A_129] : memref<16x8192xf32, #tpu.memory_space<hbm>> -> memref<1x8192xf32, #tpu.memory_space<hbm>>
      %dma_start3A_131 = tpu.memref_squeeze %dma_start3A_130 : memref<1x8192xf32, #tpu.memory_space<hbm>> -> memref<8192xf32, #tpu.memory_space<hbm>>
      tpu.enqueue_dma source(%arg7 : memref<8192xf32, #tpu.memory_space<vmem>>) target(%dma_start3A_131 : memref<8192xf32, #tpu.memory_space<hbm>>) target_semaphore(%arg8 : memref<!tpu.dma_semaphore, #tpu.memory_space<semaphore_mem>>)
      %dma_wait3A_132 = arith.constant 0 : i32
      %dma_wait3A_133 = tpu.memref_slice %arg3[%arg1, %dma_wait3A_132] : memref<16x8192xf32, #tpu.memory_space<hbm>> -> memref<1x8192xf32, #tpu.memory_space<hbm>>
      %dma_wait3A_134 = tpu.memref_squeeze %dma_wait3A_133 : memref<1x8192xf32, #tpu.memory_space<hbm>> -> memref<8192xf32, #tpu.memory_space<hbm>>
      %dma_wait3A_135 = arith.constant 0 : i32
      %dma_wait3A_136 = tpu.memref_slice %arg3[%arg1, %dma_wait3A_135] : memref<16x8192xf32, #tpu.memory_space<hbm>> -> memref<1x8192xf32, #tpu.memory_space<hbm>>
      %dma_wait3A_137 = tpu.memref_squeeze %dma_wait3A_136 : memref<1x8192xf32, #tpu.memory_space<hbm>> -> memref<8192xf32, #tpu.memory_space<hbm>>
      tpu.wait_dma2 semaphore(%arg8 : memref<!tpu.dma_semaphore, #tpu.memory_space<semaphore_mem>>) src(%arg7 : memref<8192xf32, #tpu.memory_space<vmem>>) dst(%dma_wait3A_137 : memref<8192xf32, #tpu.memory_space<hbm>>)
    } else {
    }
    return
  }
}

module attributes {stable_mosaic.version = 14 : i64} {
  func.func @_bcast_kernel(%arg0: memref<16x8192xf32, #tpu.memory_space<vmem>>, %arg1: memref<128x16x8192xf32, #tpu.memory_space<any>>, %arg2: memref<8x16x8192xf32, #tpu.memory_space<vmem>>, %arg3: memref<!tpu.dma_semaphore, #tpu.memory_space<semaphore_mem>>) attributes {dimension_semantics = [], scalar_prefetch = 0 : i64, scratch_operands = 2 : i64, tpu.core_type = #tpu.core_type<tc>} {
    %get3A = arith.constant 0 : index
    %get3A_0 = arith.constant 0 : index
    %get3A_1 = vector.load %arg0[%get3A, %get3A_0] : memref<16x8192xf32, #tpu.memory_space<vmem>>, vector<16x8192xf32>
    %swap3A = arith.constant 0 : index
    %swap3A_2 = arith.constant 0 : index
    %swap3A_3 = arith.constant 0 : index
    %swap3A_4 = vector.load %arg2[%swap3A, %swap3A_2, %swap3A_3] : memref<8x16x8192xf32, #tpu.memory_space<vmem>>, vector<1x16x8192xf32>
    %swap3A_5 = vector.shape_cast %swap3A_4 : vector<1x16x8192xf32> to vector<16x8192xf32>
    %swap3A_6 = vector.shape_cast %get3A_1 : vector<16x8192xf32> to vector<1x16x8192xf32>
    tpu.vector_store %arg2[%swap3A, %swap3A_2, %swap3A_3], %swap3A_6 {strides = array<i32>} : memref<8x16x8192xf32, #tpu.memory_space<vmem>>, vector<1x16x8192xf32>,
    %swap3A_7 = arith.constant 1 : index
    %swap3A_8 = arith.constant 0 : index
    %swap3A_9 = arith.constant 0 : index
    %swap3A_10 = vector.load %arg2[%swap3A_7, %swap3A_8, %swap3A_9] : memref<8x16x8192xf32, #tpu.memory_space<vmem>>, vector<1x16x8192xf32>
    %swap3A_11 = vector.shape_cast %swap3A_10 : vector<1x16x8192xf32> to vector<16x8192xf32>
    %swap3A_12 = vector.shape_cast %get3A_1 : vector<16x8192xf32> to vector<1x16x8192xf32>
    tpu.vector_store %arg2[%swap3A_7, %swap3A_8, %swap3A_9], %swap3A_12 {strides = array<i32>} : memref<8x16x8192xf32, #tpu.memory_space<vmem>>, vector<1x16x8192xf32>,
    %swap3A_13 = arith.constant 2 : index
    %swap3A_14 = arith.constant 0 : index
    %swap3A_15 = arith.constant 0 : index
    %swap3A_16 = vector.load %arg2[%swap3A_13, %swap3A_14, %swap3A_15] : memref<8x16x8192xf32, #tpu.memory_space<vmem>>, vector<1x16x8192xf32>
    %swap3A_17 = vector.shape_cast %swap3A_16 : vector<1x16x8192xf32> to vector<16x8192xf32>
    %swap3A_18 = vector.shape_cast %get3A_1 : vector<16x8192xf32> to vector<1x16x8192xf32>
    tpu.vector_store %arg2[%swap3A_13, %swap3A_14, %swap3A_15], %swap3A_18 {strides = array<i32>} : memref<8x16x8192xf32, #tpu.memory_space<vmem>>, vector<1x16x8192xf32>,
    %swap3A_19 = arith.constant 3 : index
    %swap3A_20 = arith.constant 0 : index
    %swap3A_21 = arith.constant 0 : index
    %swap3A_22 = vector.load %arg2[%swap3A_19, %swap3A_20, %swap3A_21] : memref<8x16x8192xf32, #tpu.memory_space<vmem>>, vector<1x16x8192xf32>
    %swap3A_23 = vector.shape_cast %swap3A_22 : vector<1x16x8192xf32> to vector<16x8192xf32>
    %swap3A_24 = vector.shape_cast %get3A_1 : vector<16x8192xf32> to vector<1x16x8192xf32>
    tpu.vector_store %arg2[%swap3A_19, %swap3A_20, %swap3A_21], %swap3A_24 {strides = array<i32>} : memref<8x16x8192xf32, #tpu.memory_space<vmem>>, vector<1x16x8192xf32>,
    %swap3A_25 = arith.constant 4 : index
    %swap3A_26 = arith.constant 0 : index
    %swap3A_27 = arith.constant 0 : index
    %swap3A_28 = vector.load %arg2[%swap3A_25, %swap3A_26, %swap3A_27] : memref<8x16x8192xf32, #tpu.memory_space<vmem>>, vector<1x16x8192xf32>
    %swap3A_29 = vector.shape_cast %swap3A_28 : vector<1x16x8192xf32> to vector<16x8192xf32>
    %swap3A_30 = vector.shape_cast %get3A_1 : vector<16x8192xf32> to vector<1x16x8192xf32>
    tpu.vector_store %arg2[%swap3A_25, %swap3A_26, %swap3A_27], %swap3A_30 {strides = array<i32>} : memref<8x16x8192xf32, #tpu.memory_space<vmem>>, vector<1x16x8192xf32>,
    %swap3A_31 = arith.constant 5 : index
    %swap3A_32 = arith.constant 0 : index
    %swap3A_33 = arith.constant 0 : index
    %swap3A_34 = vector.load %arg2[%swap3A_31, %swap3A_32, %swap3A_33] : memref<8x16x8192xf32, #tpu.memory_space<vmem>>, vector<1x16x8192xf32>
    %swap3A_35 = vector.shape_cast %swap3A_34 : vector<1x16x8192xf32> to vector<16x8192xf32>
    %swap3A_36 = vector.shape_cast %get3A_1 : vector<16x8192xf32> to vector<1x16x8192xf32>
    tpu.vector_store %arg2[%swap3A_31, %swap3A_32, %swap3A_33], %swap3A_36 {strides = array<i32>} : memref<8x16x8192xf32, #tpu.memory_space<vmem>>, vector<1x16x8192xf32>,
    %swap3A_37 = arith.constant 6 : index
    %swap3A_38 = arith.constant 0 : index
    %swap3A_39 = arith.constant 0 : index
    %swap3A_40 = vector.load %arg2[%swap3A_37, %swap3A_38, %swap3A_39] : memref<8x16x8192xf32, #tpu.memory_space<vmem>>, vector<1x16x8192xf32>
    %swap3A_41 = vector.shape_cast %swap3A_40 : vector<1x16x8192xf32> to vector<16x8192xf32>
    %swap3A_42 = vector.shape_cast %get3A_1 : vector<16x8192xf32> to vector<1x16x8192xf32>
    tpu.vector_store %arg2[%swap3A_37, %swap3A_38, %swap3A_39], %swap3A_42 {strides = array<i32>} : memref<8x16x8192xf32, #tpu.memory_space<vmem>>, vector<1x16x8192xf32>,
    %swap3A_43 = arith.constant 7 : index
    %swap3A_44 = arith.constant 0 : index
    %swap3A_45 = arith.constant 0 : index
    %swap3A_46 = vector.load %arg2[%swap3A_43, %swap3A_44, %swap3A_45] : memref<8x16x8192xf32, #tpu.memory_space<vmem>>, vector<1x16x8192xf32>
    %swap3A_47 = vector.shape_cast %swap3A_46 : vector<1x16x8192xf32> to vector<16x8192xf32>
    %swap3A_48 = vector.shape_cast %get3A_1 : vector<16x8192xf32> to vector<1x16x8192xf32>
    tpu.vector_store %arg2[%swap3A_43, %swap3A_44, %swap3A_45], %swap3A_48 {strides = array<i32>} : memref<8x16x8192xf32, #tpu.memory_space<vmem>>, vector<1x16x8192xf32>,
    %scan3A = arith.constant 0 : i32
    %scan3A_49 = arith.constant 16 : i32
    %scan3A_50 = arith.addi %scan3A, %scan3A_49 : i32
    %scan3A_51 = arith.constant 1 : i32
    scf.for %scan3A_58 = %scan3A to %scan3A_50 step %scan3A_51  : i32 {
      %mul3A = arith.constant 8 : i32
      %mul3A_59 = arith.muli %scan3A_58, %mul3A : i32
      %dma_start3A = arith.constant 0 : i32
      %dma_start3A_60 = arith.constant 0 : i32
      %dma_start3A_61 = tpu.memref_slice %arg1[%mul3A_59, %dma_start3A, %dma_start3A_60] : memref<128x16x8192xf32, #tpu.memory_space<any>> -> memref<8x16x8192xf32, #tpu.memory_space<any>>
      tpu.enqueue_dma source(%arg2 : memref<8x16x8192xf32, #tpu.memory_space<vmem>>) target(%dma_start3A_61 : memref<8x16x8192xf32, #tpu.memory_space<any>>) target_semaphore(%arg3 : memref<!tpu.dma_semaphore, #tpu.memory_space<semaphore_mem>>)
    }
    %scan3A_52 = arith.constant 16 : i32
    %scan3A_53 = arith.constant 0 : i32
    %scan3A_54 = arith.constant 16 : i32
    %scan3A_55 = arith.addi %scan3A_53, %scan3A_54 : i32
    %scan3A_56 = arith.constant 1 : i32
    scf.for %scan3A_58 = %scan3A_53 to %scan3A_55 step %scan3A_56  : i32 {
      %mul3A = arith.constant 8 : i32
      %mul3A_59 = arith.muli %scan3A_58, %mul3A : i32
      %dma_wait3A = arith.constant 0 : i32
      %dma_wait3A_60 = arith.constant 0 : i32
      %dma_wait3A_61 = tpu.memref_slice %arg1[%mul3A_59, %dma_wait3A, %dma_wait3A_60] : memref<128x16x8192xf32, #tpu.memory_space<any>> -> memref<8x16x8192xf32, #tpu.memory_space<any>>
      tpu.wait_dma2 semaphore(%arg3 : memref<!tpu.dma_semaphore, #tpu.memory_space<semaphore_mem>>) src(%arg2 : memref<8x16x8192xf32, #tpu.memory_space<vmem>>) dst(%dma_wait3A_61 : memref<8x16x8192xf32, #tpu.memory_space<any>>)
    }
    %scan3A_57 = arith.constant 16 : i32
    return
  }
}

</mosaic_0001>

<sc_bundles>
// kernel: kernel.4.cloned.1.call-start
scs
__scs_entry_jumppad:
0x0: {  	(pc) =	sbr.rel $0x88, $3  }
0x1: {  	(tag) =	ssettag $0x0;
	lr =	simm.s32 $0x1  }
0x2: {  	[smem:$0x3FA0] =	sst lr;
	_ =	strace $0xD0000000  }
0x3: {  	_ = 	snop  }
0x4: {  	_ = 	snop  }
0x5: {  	_ = 	snop  }
0x6: {  	_ = 	snop  }
0x7: {  	_ = 	snop  }
__scs_overlays_trampoline_lowered:
0x8: {  	[smem:$0x3FAF] =	sst s0  }
0x9: {  	[smem:$0x3FB0] =	sst s1  }
0xa: {  	[smem:$0x3FB1] =	sst s2  }
0xb: {  	[smem:$0x3FB2] =	sst s3  }
0xc: {  	[smem:$0x3FB3] =	sst s4  }
0xd: {  	[smem:$0x3FB4] =	sst s5  }
0xe: {  	[smem:$0x3FB5] =	sst s6  }
0xf: {  	[smem:$0x3FB6] =	sst s7  }
0x10: {  	[smem:$0x3FB7] =	sst s8  }
0x11: {  	[smem:$0x3FB8] =	sst s9;
	s0 =	simm.s32 @!p0 $0x0  }
0x12: {  	s1 =	sld [smem:$0x3F9E];
	s0 =	simm.s32 @p0 $0x1  }
0x13: {  	[smem:$0x3FB9] =	sst s0;
	s0 =	simm.s32 @!p1 $0x0  }
0x14: {  	s2 =	sld [smem:$0x3F9D];
	s0 =	simm.s32 @p1 $0x1  }
0x15: {  	[smem:$0x3FBA] =	sst s0;
	s0 =	simm.s32 @!p2 $0x0  }
0x16: {  	s3 =	sld [smem:$0x3FDB];
	s0 =	simm.s32 @p2 $0x1  }
0x17: {  	s4 =	simm.s32 $0x1BF5;
	[smem:$0x3FBC] =	sst s0  }
0x18: {  	s0 =	sld [smem:$0x3F9F];
	_ =	swait.ge [sflag:s4], $0x0  }
0x19: {  	s7 =	sld [smem:$0x3FA0]  }
0x1a: {  	s8 =	sadd.s32 $0xFFFFE003, lr  }
0x1b: {  	s9 =	sadd.s32 $0xFFFFFEF7, lr;
	s5 =	simm.s32 $0xFFFFFFFF;
	p2 =	slt.u32 s8, $0xFFFFF086  }
0x1c: {  	p1 =	slt.u32 s9, $0xF7A;
	s5 =	simm.s32 @!p2 $0x0  }
0x1d: {  	s5 =	simm.s32 @p1 $0x1;
	p0 =	seq.s32 s7, s2  }
0x1e: {  	s7 =	smul.u32 @!p0 $0xF7A, s2;
	p2 =	seq.s32 @!p0 s5, $0x0  }
0x1f: {  	s9 =	smul.u32 $0xF7A, s1;
	s8 =	simm.s32 @!p0 $0x1BF5;
	p2 =	por !p2, p0  }
0x20: {  	[sflag:s8] =	ssyncset.s32 @!p0 $0xFFFFF086;
	s6 =	sadd.s32 @!p0 s3, s7;
	s7 =	simm.s32 @!p0 $0x108  }
0x21: {  	s3 =	sadd.s32 s3, s9;
	s6 =	sadd.s32 @!p0 $0x88, s6;
	s7 =	simm.s32 @p2 $0x1082  }
0x22: {  	[simem:s7], [sflag:s8] =	dma.local @!p0 [hbm:s6], $0xF7A  }
0x23: {  	s9 =	sor.u32 $0xD0000000, s2;
	s6 =	simm.s32 $0x108;
	_ =	swait.ge @!p0 [sflag:s8], $0x0  }
0x24: {  	s3 =	sadd.s32 $0x88, s3;
	s6 =	simm.s32 @!p1 $0x1082;
	[sflag:s4] =	ssyncset.s32 $0xFFFFF086  }
0x25: {  	[simem:s6], [sflag:s4] =	dma.local [hbm:s3], $0xF7A  }
0x26: {  	[smem:$0x3FA0] =	sst s1;
	(tag) =	ssettag s2;
	_ =	strace s9  }
0x27: {  	s1 =	sld [smem:$0x3FB0]  }
0x28: {  	s2 =	sld [smem:$0x3FB1]  }
0x29: {  	s4 =	sld [smem:$0x3FB3]  }
0x2a: {  	p0 =	seq.s32 s5, $0x0;
	s5 =	sld [smem:$0x3FB4]  }
0x2b: {  	s6 =	sld [smem:$0x3FB5]  }
0x2c: {  	s7 =	sld [smem:$0x3FB6]  }
0x2d: {  	s3 =	simm.s32 $0x108;
	s8 =	sld [smem:$0x3FB7]  }
0x2e: {  	s3 =	simm.s32 @!p0 $0x1082;
	s9 =	sld [smem:$0x3FB8]  }
0x2f: {  	lr =	sadd.s32 s0, s3;
	s0 =	sld [smem:$0x3FAF]  }
0x30: {  	s3 =	sld [smem:$0x3FB2]  }
0x31: {  	[smem:$0x3FBB] =	sst s10  }
0x32: {  	s10 =	sld [smem:$0x3FB9];
	_ =	sdelay $0x3  }
0x33: {  	p0 =	seq.s32 s10, $0x1;
	s10 =	sld [smem:$0x3FBB];
	_ =	sdelay $0x3  }
0x34: {  	[smem:$0x3FBB] =	sst s10  }
0x35: {  	s10 =	sld [smem:$0x3FBA];
	_ =	sdelay $0x3  }
0x36: {  	p1 =	seq.s32 s10, $0x1;
	s10 =	sld [smem:$0x3FBB];
	_ =	sdelay $0x3  }
0x37: {  	[smem:$0x3FBB] =	sst s10  }
0x38: {  	s10 =	sld [smem:$0x3FBC]  }
0x39: {  	_ = 	snop;
	(pc) =	sbr.ind lr, $3  }
0x3a: {  	_ = 	snop  }
0x3b: {  	_ = 	snop  }
0x3c: {  	p2 =	seq.s32 s10, $0x1;
	s10 =	sld [smem:$0x3FBB]  }
0x3d: {  	_ =	shalt  }
0x3e: {  	_ =	shalt  }
0x3f: {  	_ =	shalt  }
0x40: {  	_ =	shalt  }
0x41: {  	_ =	shalt  }
0x42: {  	_ =	shalt  }
0x43: {  	_ =	shalt  }
0x44: {  	_ =	shalt  }
0x45: {  	_ =	shalt  }
0x46: {  	_ =	shalt  }
0x47: {  	_ =	shalt  }
0x48: {  	_ =	shalt  }
0x49: {  	_ =	shalt  }
0x4a: {  	_ =	shalt  }
0x4b: {  	_ =	shalt  }
0x4c: {  	_ =	shalt  }
0x4d: {  	_ =	shalt  }
0x4e: {  	_ =	shalt  }
0x4f: {  	_ =	shalt  }
0x50: {  	_ =	shalt  }
0x51: {  	_ =	shalt  }
0x52: {  	_ =	shalt  }
0x53: {  	_ =	shalt  }
0x54: {  	_ =	shalt  }
0x55: {  	_ =	shalt  }
0x56: {  	_ =	shalt  }
0x57: {  	_ =	shalt  }
0x58: {  	_ =	shalt  }
0x59: {  	_ =	shalt  }
0x5a: {  	_ =	shalt  }
0x5b: {  	_ =	shalt  }
0x5c: {  	_ =	shalt  }
0x5d: {  	_ =	shalt  }
0x5e: {  	_ =	shalt  }
0x5f: {  	_ =	shalt  }
0x60: {  	_ =	shalt  }
0x61: {  	_ =	shalt  }
0x62: {  	_ =	shalt  }
0x63: {  	_ =	shalt  }
0x64: {  	_ =	shalt  }
0x65: {  	_ =	shalt  }
0x66: {  	_ =	shalt  }
0x67: {  	_ =	shalt  }
0x68: {  	_ =	shalt  }
0x69: {  	_ =	shalt  }
0x6a: {  	_ =	shalt  }
0x6b: {  	_ =	shalt  }
0x6c: {  	_ =	shalt  }
0x6d: {  	_ =	shalt  }
0x6e: {  	_ =	shalt  }
0x6f: {  	_ =	shalt  }
0x70: {  	_ =	shalt  }
0x71: {  	_ =	shalt  }
0x72: {  	_ =	shalt  }
0x73: {  	_ =	shalt  }
0x74: {  	_ =	shalt  }
0x75: {  	_ =	shalt  }
0x76: {  	_ =	shalt  }
0x77: {  	_ =	shalt  }
0x78: {  	_ =	shalt  }
0x79: {  	_ =	shalt  }
0x7a: {  	_ =	shalt  }
0x7b: {  	_ =	shalt  }
0x7c: {  	_ =	shalt  }
0x7d: {  	_ =	shalt  }
0x7e: {  	_ =	shalt  }
0x7f: {  	_ =	shalt  }
0x80: {  	_ =	shalt  }
0x81: {  	_ =	shalt  }
0x82: {  	_ =	shalt  }
0x83: {  	_ =	shalt  }
0x84: {  	_ =	shalt  }
0x85: {  	_ =	shalt  }
0x86: {  	_ =	shalt  }
0x87: {  	_ =	shalt  }
.Lfunc_end0:
.L_simem_size_0:
called_computation_lowered:
.L_overlay_start_0:
0x88: {  	s2 =	sld [smem:$0x3FD9]  }
0x89: {  	s3 =	sld [smem:$0x3FFE];
	_ =	sdelay $0x1  }
0x8a: {  	s1 =	srdreg.scid  }
0x8b: {  	s0 =	sand.u32 $0x1, s1  }
0x8c: {  	s18 =	sshll.u32 s0, $0xA;
	s2 =	sadd.s32 s3, s2  }
0x8d: {  	s2 =	sadd.s32 s2, s18  }
0x8e: {  	[smem:$0x3FC7] =	sst s2  }
0x8f: {  	_ = 	snop  }
0x90: {  	s2 =	sld [smem:$0x3FC9]  }
0x91: {  	s19 =	sld [smem:$0x3FD0];
	(tm) =	ssettm $0x1  }
0x92: {  	s4 =	sld [smem:$0x3FFB];
	_ =	sdelay $0x3  }
0x93: {  	_ =	strace s4  }
0x94: {  	s4 =	sld [smem:$0x3FFC];
	_ =	sdelay $0x3  }
0x95: {  	_ =	strace s4  }
0x96: {  	s4 =	sld [smem:$0x3FFD];
	_ =	sdelay $0x3  }
0x97: {  	_ =	strace s4  }
0x98: {  	_ =	strace $0x8FFFFFFF  }
0x99: {  	s20 =	sld [smem:$0x3FDB];
	_ =	sdelay $0x1  }
0x9a: {  	s5 =	simm.s32 $_scs_section_size  }
0x9b: {  	s6 =	simm.s32 $_size__tile_overlayer_lowered;
	s7 =	simm.s32 $_tile_overlayer_lowered  }
0x9c: {  	s23 =	simm.s32 $0x1BFF;
	s22 =	sshll.u32 s7, $0x1;
	s4 =	sadd.s32 s5, s20  }
0x9d: {  	s8 =	simm.s32 $0x0;
	s21 =	sshll.u32 s6, $0x1;
	s6 =	sadd.s32 s22, s4  }
0x9e: {  	[timem:s8], [sflag:s23] =	dma.local [hbm:s6], s21  }
0x9f: {  	_ =	swait.ge [sflag:s23], s21  }
0xa0: {  	s5 =	ssub.s32 $0x0, s21;
	[sflag:s23] =	ssyncset.done $0x0  }
0xa1: {  	[sflag:s23] =	ssyncadd.s32 s5;
	_ =	sdelay $0x1  }
0xa2: {  	s24 =	simm.s32 $0x1B8B  }
0xa3: {  	_ =	swait.ge [sflag:s24], $0x1  }
0xa4: {  	[sflag:s24] =	ssyncset.done $0x0  }
0xa5: {  	s25 =	simm.s32 $0x1B8E;
	[sflag:s24] =	ssyncadd.s32 $0xFFFFFFFF  }
0xa6: {  	s26 =	simm.s32 $execute0_lowered;
	[smem:$0x3FD2] =	sst s25  }
0xa7: {  	s5 =	sshll.u32 s26, $0x1;
	_ =	strace $0x80000046;
	[dreg:$0x1] =	wrdreg $0xFFFFFFFF  }
0xa8: {  	s28 =	simm.s32 $_size_execute0_lowered;
	s4 =	sadd.s32 s4, s5;
	[dreg:$0x0] =	wrdreg $0x0  }
0xa9: {  	s5 =	sshll.u32 s28, $0x1;
	[dreg:$0x2] =	wrdreg s4  }
0xaa: {  	[dreg:$0x3] =	wrdreg s5  }
0xab: {  	[dreg:$0x4] =	wrdreg $0xC0  }
0xac: {  	_ =	task [dreg:s8], $0x5FFFF  }
0xad: {  	[dreg:$0x1] =	wrdreg $0xFFFFFFFF  }
0xae: {  	[dreg:$0x0] =	wrdreg $0x60  }
0xaf: {  	[dreg:$0x2] =	wrdreg s2  }
0xb0: {  	[dreg:$0x3] =	wrdreg s19  }
0xb1: {  	[dreg:$0x4] =	wrdreg $0x9  }
0xb2: {  	_ =	task.clear_ibuf [dreg:s8], $0x5FFFF;
	_ =	strace $0x90000046  }
0xb3: {  	s29 =	simm.s32 $0x9;
	_ =	strace $0x80000048  }
0xb4: {  	_ =	swait.ge [sflag:s29], $0x1  }
0xb5: {  	[sflag:s29] =	ssyncadd.s32 $0xFFFFFFFF  }
0xb6: {  	_ =	strace $0x90000048  }
0xb7: {  	_ =	sfence  }
0xb8: {  	s30 =	sld [smem:$0x0];
	_ =	sdelay $0x2  }
0xb9: {  	s31 =	sshll.u32 s1, $0xD;
	s1 =	sshrl.u32 s1, $0x2  }
0xba: {  	s3 =	sand.u32 $0x4000, s31;
	s1 =	sadd.s32 s1, s30  }
0xbb: {  	s0 =	sor.u32 s3, s0;
	s1 =	sshll.u32 s1, $0x11  }
0xbc: {  	s0 =	sor.u32 s1, s0  }
0xbd: {  	s0 =	sadd.s32 $0x8F2B, s0  }
0xbe: {  	[sflag:s0] =	ssyncadd.remote.s32 $0x1  }
0xbf: {  	_ =	sfence.sel $0xFFFF  }
0xc0: {  	[dreg:$0x0] =	wrdreg $0xFFFFFFFF;
	(pc) =	sbr.abs _section_cstart, $3  }
0xc1: {  	[dreg:$0x1] =	wrdreg $0xFFFFFFFF  }
0xc2: {  	_ =	task.clear_ibuf [dreg:s8], $0x2FFFF;
	_ =	strace $0x9FFFFFFF  }
0xc3: {  	(tm) =	ssettm $0x7FFFFFFF  }
tec
execute0_lowered:
.L_overlay_start_1:
0x0: {  	(tag) =	ssettag $0x1  }
0x1: {  	s1 =	srdreg.scid  }
0x2: {  	s1 =	sand.u32 $0x1, s1  }
0x3: {  	p0 =	seq.s32 s1, $0x1  }
.Ltmp0:
0x4: {  	_ = 	snop;
	(pc) =	sbr.rel @p0 .LBB2_41-.Ltmp0, $4  }
0x5: {  	s3 =	rddreg [dreg:$0x0]  }
0x6: {  	s2 =	rddreg [dreg:$0x1];
	s4 =	simm.s32 $0x0  }
0x7: {  	[smem:$0x7FF] =	sst s4  }
0x8: {  	s0 =	rddreg [dreg:$0x2];
	_ =	strace $0x80000047;
	s1 =	stileid.u32  }
0x9: {  	s5 =	sshll.u32 s1, $0xA;
	s6 =	sshll.u32 s1, $0x4  }
0xa: {  	s5 =	sor.u32 s6, s5  }
0xb: {  	s29 =	simm.s32 $0x80;
	s5 =	sand.u32 $0x2070, s5  }
0xc: {  	s7 =	simm.s32 $0x400;
	s30 =	simm.s32 $0x1;
	s3 =	sadd.s32 s3, s5  }
0xd: {  	[tilespmem:s4], [sflag:$0x1] =	stream.strided.gather [hbm4b:s3+s29], $0x2000, s7, s29, $0x38;
	[tilespmem:$0x8100] =	vst v63  }
0xe: {  	_ =	swait.ge [sflag:s30], $0x2000  }
0xf: {  	[sflag:s30] =	ssyncset.done $0x0  }
0x10: {  	s31 =	simm.s32 $0x0;
	[sflag:s30] =	ssyncadd.s32 $0xFFFFE000  }
0x11: {  	v1 =	vld [tilespmem:s31+$0x0]  }
0x12: {  	v0 =	vld [tilespmem:s31+$0x10]  }
0x13: {  	v3 =	vimm.s32 $0x0;
	v2 =	vld [tilespmem:s31+$0x20]  }
0x14: {  	v5 =	vimm.s32 $0x0;
	v6 =	vimm.s32 $0x0;
	v7 =	vimm.s32 $0x0;
	s2 =	sadd.s32 s2, s5;
	s3 =	simm.s32 $0x100;
	v4 =	vld [tilespmem:s31+$0x30]  }
.LBB2_2:
0x15: {  	p0 =	sne.s32 s3, $0x7F00  }
.Ltmp1:
0x16: {  	s4 =	sshra.s32 s3, $0x2;
	v10 =	vmov v1;
	(pc) =	sbr.rel @p0 .LBB2_2-.Ltmp1, $4  }
0x17: {  	v1 =	vld [tilespmem:s4+$0x0];
	vm0 =	vgt.s32 v3, v10;
	v9 =	vmov v0  }
0x18: {  	v0 =	vld [tilespmem:s4+$0x10];
	v3 =	vsel vm0, v3, v10;
	v8 =	vmov v2  }
0x19: {  	s3 =	sadd.s32 $0x100, s3;
	vm0 =	vgt.s32 v5, v9;
	v2 =	vld [tilespmem:s4+$0x20];
	vm1 =	vgt.s32 v6, v8;
	vm2 =	vgt.s32 v7, v4  }
0x1a: {  	v5 =	vsel vm0, v5, v9;
	v6 =	vsel vm1, v6, v8;
	v7 =	vsel vm2, v7, v4;
	v4 =	vld [tilespmem:s4+$0x30]  }
0x1b: {  	_ =	sdelay $0x1  }
0x1c: {  	vm0 =	vgt.s32 v3, v1  }
0x1d: {  	v1 =	vsel vm0, v3, v1  }
0x1e: {  	vm11 =	vgt.s32 v5, v0;
	vm1 =	vgt.s32 v6, v2;
	vm2 =	vgt.s32 v7, v4  }
0x1f: {  	v3 =	vsel vm11, v5, v0;
	v2 =	vsel vm1, v6, v2;
	v4 =	vsel vm2, v7, v4  }
0x20: {  	vm0 =	vlt.s32 v1, v3;
	vm1 =	vlt.s32 v2, v4  }
0x21: {  	v0 =	vsel vm0, v1, v3;
	v5 =	vsel vm1, v2, v4  }
0x22: {  	vm0 =	vlt.s32 v0, v5  }
0x23: {  	v0 =	vsel vm0, v0, v5  }
0x24: {  	v0 =	vxor.u32 $0x80000000, v0  }
0x25: {  	(xrf0) =	vmin.scan.msk.u32 $0xffff, v0;
	_ =	sdelay $0x5  }
0x26: {  	v0, _, _ =	vpop (xrf0)  }
0x27: {  	(v2sf) =	vpush v0, $0xF;
	_ =	sdelay $0xb  }
0x28: {  	s5 =	simm.s32 $0x20  }
0x29: {  	v7 =	vld [tilespmem:s5+$0xFFFFFFE0];
	_ =	sdelay $0x1  }
0x2a: {  	s3 =	spop (v2sf)  }
0x2b: {  	s3 =	sxor.u32 $0x80000000, s3  }
0x2c: {  	v5 =	vmov s3  }
0x2d: {  	s4 =	simm.s32 $0x0;
	v6 =	vimm.s32 $0x0;
	v0 =	vlaneseq.u32;
	vm12 =	vge.s32 v7, v5  }
0x2e: {  	v8 =	vor.u32 s4, v0;
	[tilespmem:s4+$0x2000] =	vst.msk vm12, v7;
	v7 =	vsel vm12, $0x1, v6  }
0x2f: {  	[tilespmem:s4+$0x4080] =	vst.msk vm12, v8;
	(xrf0) =	vadd.scan.msk.s32 $0xffff, v7  }
0x30: {  	v7 =	vld [tilespmem:s5+$0xFFFFFFF0];
	_ =	sdelay $0x4  }
0x31: {  	vm13 =	vge.s32 v7, v5;
	v8, _, _ =	vpop (xrf0)  }
0x32: {  	v9 =	vsel vm13, $0x1, v6;
	(v2sf) =	vpush v8, $0xF  }
0x33: {  	(xrf0) =	vadd.scan.msk.s32 $0xffff, v9;
	_ =	sdelay $0x5  }
0x34: {  	v8, _, _ =	vpop (xrf0)  }
0x35: {  	(v2sf) =	vpush v8, $0xF;
	_ =	sdelay $0x6  }
0x36: {  	s6 =	spop (v2sf)  }
0x37: {  	s7 =	simm.s32 $0x10;
	s6 =	sadd.s32 $0x0, s6  }
0x38: {  	v8 =	vor.u32 s7, v0;
	[tilespmem:s6+$0x2000] =	vst.msk vm13, v7  }
0x39: {  	[tilespmem:s6+$0x4080] =	vst.msk vm13, v8  }
0x3a: {  	v7 =	vld [tilespmem:s5+$0x0];
	_ =	sdelay $0x3  }
0x3b: {  	s28 =	spop (v2sf)  }
0x3c: {  	s29 =	simm.s32 $0x20;
	s6 =	sadd.s32 s6, s28;
	vm14 =	vge.s32 v7, v5  }
0x3d: {  	v8 =	vor.u32 s29, v0;
	[tilespmem:s6+$0x2000] =	vst.msk vm14, v7  }
0x3e: {  	[tilespmem:s6+$0x4080] =	vst.msk vm14, v8  }
0x3f: {  	v7 =	vld [tilespmem:s5+$0x10];
	_ =	sdelay $0x1  }
0x40: {  	v8 =	vsel vm14, $0x1, v6  }
0x41: {  	(xrf0) =	vadd.scan.msk.s32 $0xffff, v8;
	_ =	sdelay $0x1  }
0x42: {  	vm15 =	vge.s32 v7, v5  }
0x43: {  	v8 =	vsel vm15, $0x1, v6;
	_ =	sdelay $0x2  }
0x44: {  	(xrf0) =	vadd.scan.msk.s32 $0xffff, v8;
	v8, _, _ =	vpop (xrf0)  }
0x45: {  	(v2sf) =	vpush v8, $0xF;
	_ =	sdelay $0x6  }
0x46: {  	v8, _, _ =	vpop (xrf0)  }
0x47: {  	(v2sf) =	vpush v8, $0xF;
	_ =	sdelay $0x6  }
0x48: {  	s30 =	spop (v2sf)  }
0x49: {  	s31 =	simm.s32 $0x30;
	s7 =	sadd.s32 s6, s30  }
0x4a: {  	v8 =	vor.u32 s31, v0;
	[tilespmem:s7+$0x2000] =	vst.msk vm15, v7  }
0x4b: {  	s5 =	simm.s32 $0x60;
	[tilespmem:s7+$0x4080] =	vst.msk vm15, v8  }
0x4c: {  	v7 =	vld [tilespmem:s5+$0xFFFFFFE0];
	_ =	sdelay $0x3  }
0x4d: {  	s6 =	simm.s32 $0x4;
	s8 =	spop (v2sf)  }
.LBB2_4:
0x4e: {  	s6 =	sadd.s32 $0x4, s6;
	vm0 =	vge.s32 v7, v5;
	s7 =	sadd.s32 s7, s8;
	s4 =	sadd.s32 $0x40, s4  }
0x4f: {  	p0 =	slt.u32 s6, $0x1FC;
	v8 =	vor.u32 s4, v0;
	[tilespmem:s7+$0x2000] =	vst.msk vm0, v7;
	v7 =	vsel vm0, $0x1, v6  }
0x50: {  	[tilespmem:s7+$0x4080] =	vst.msk vm0, v8;
	(xrf0) =	vadd.scan.msk.s32 $0xffff, v7  }
0x51: {  	v7 =	vld [tilespmem:s5+$0xFFFFFFF0];
	_ =	sdelay $0x4  }
0x52: {  	vm0 =	vge.s32 v7, v5;
	v8, _, _ =	vpop (xrf0)  }
0x53: {  	v9 =	vsel vm0, $0x1, v6;
	(v2sf) =	vpush v8, $0xF  }
0x54: {  	(xrf0) =	vadd.scan.msk.s32 $0xffff, v9;
	_ =	sdelay $0x5  }
0x55: {  	v8, _, _ =	vpop (xrf0)  }
0x56: {  	(v2sf) =	vpush v8, $0xF;
	_ =	sdelay $0x6  }
0x57: {  	s8 =	spop (v2sf)  }
0x58: {  	s7 =	sadd.s32 s7, s8;
	s8 =	sadd.s32 $0x10, s4  }
0x59: {  	v8 =	vor.u32 s8, v0;
	[tilespmem:s7+$0x2000] =	vst.msk vm0, v7  }
0x5a: {  	[tilespmem:s7+$0x4080] =	vst.msk vm0, v8  }
0x5b: {  	v7 =	vld [tilespmem:s5+$0x0];
	_ =	sdelay $0x3  }
0x5c: {  	s8 =	spop (v2sf)  }
0x5d: {  	s7 =	sadd.s32 s7, s8;
	s8 =	sadd.s32 $0x20, s4;
	vm0 =	vge.s32 v7, v5  }
0x5e: {  	v8 =	vor.u32 s8, v0;
	[tilespmem:s7+$0x2000] =	vst.msk vm0, v7;
	v7 =	vsel vm0, $0x1, v6  }
0x5f: {  	[tilespmem:s7+$0x4080] =	vst.msk vm0, v8;
	(xrf0) =	vadd.scan.msk.s32 $0xffff, v7  }
0x60: {  	v7 =	vld [tilespmem:s5+$0x10];
	_ =	sdelay $0x4  }
0x61: {  	vm0 =	vge.s32 v7, v5;
	v8, _, _ =	vpop (xrf0)  }
0x62: {  	v9 =	vsel vm0, $0x1, v6;
	(v2sf) =	vpush v8, $0xF  }
0x63: {  	(xrf0) =	vadd.scan.msk.s32 $0xffff, v9;
	_ =	sdelay $0x5  }
0x64: {  	v8, _, _ =	vpop (xrf0)  }
0x65: {  	(v2sf) =	vpush v8, $0xF;
	_ =	sdelay $0x6  }
0x66: {  	s8 =	spop (v2sf)  }
0x67: {  	s7 =	sadd.s32 s7, s8;
	s8 =	sadd.s32 $0x30, s4  }
0x68: {  	v8 =	vor.u32 s8, v0;
	[tilespmem:s7+$0x2000] =	vst.msk vm0, v7  }
0x69: {  	s5 =	sadd.s32 $0x40, s5;
	[tilespmem:s7+$0x4080] =	vst.msk vm0, v8  }
.Ltmp2:
0x6a: {  	v7 =	vld [tilespmem:s5+$0xFFFFFFE0];
	(pc) =	sbr.rel @p0 .LBB2_4-.Ltmp2, $2  }
0x6b: {  	_ =	sdelay $0x2  }
0x6c: {  	s8 =	spop (v2sf)  }
0x6d: {  	vm0 =	vge.s32 v7, v5;
	s6 =	sadd.s32 s7, s8;
	s4 =	sadd.s32 $0x40, s4  }
0x6e: {  	v8 =	vor.u32 s4, v0;
	[tilespmem:s6+$0x2000] =	vst.msk vm0, v7;
	v52 =	vsel vm0, $0x1, v6  }
0x6f: {  	[tilespmem:s6+$0x4080] =	vst.msk vm0, v8;
	(xrf0) =	vadd.scan.msk.s32 $0xffff, v52  }
0x70: {  	v53 =	vld [tilespmem:s5+$0xFFFFFFF0];
	_ =	sdelay $0x4  }
0x71: {  	vm12 =	vge.s32 v53, v5;
	v54, _, _ =	vpop (xrf0)  }
0x72: {  	v9 =	vsel vm12, $0x1, v6;
	(v2sf) =	vpush v54, $0xF  }
0x73: {  	(xrf0) =	vadd.scan.msk.s32 $0xffff, v9;
	_ =	sdelay $0x5  }
0x74: {  	v55, _, _ =	vpop (xrf0)  }
0x75: {  	(v2sf) =	vpush v55, $0xF;
	_ =	sdelay $0x6  }
0x76: {  	s21 =	spop (v2sf)  }
0x77: {  	s22 =	sadd.s32 $0x10, s4;
	s6 =	sadd.s32 s6, s21  }
0x78: {  	v56 =	vor.u32 s22, v0;
	[tilespmem:s6+$0x2000] =	vst.msk vm12, v53  }
0x79: {  	[tilespmem:s6+$0x4080] =	vst.msk vm12, v56  }
0x7a: {  	v7 =	vld [tilespmem:s5+$0x0];
	_ =	sdelay $0x3  }
0x7b: {  	s23 =	spop (v2sf)  }
0x7c: {  	s24 =	sadd.s32 $0x20, s4;
	s6 =	sadd.s32 s6, s23;
	vm13 =	vge.s32 v7, v5  }
0x7d: {  	v57 =	vor.u32 s24, v0;
	[tilespmem:s6+$0x2000] =	vst.msk vm13, v7  }
0x7e: {  	[tilespmem:s6+$0x4080] =	vst.msk vm13, v57  }
0x7f: {  	v7 =	vld [tilespmem:s5+$0x10];
	_ =	sdelay $0x2  }
0x80: {  	vm14 =	vgt.s32 v1, v3;
	vm1 =	vgt.s32 v2, v4  }
0x81: {  	v1 =	vsel vm14, v1, v3;
	v2 =	vsel vm1, v2, v4  }
0x82: {  	vm1 =	vgt.s32 v1, v2;
	v58 =	vsel vm13, $0x1, v6;
	vm15 =	vge.s32 v7, v5  }
0x83: {  	v1 =	vsel vm1, v1, v2;
	(xrf0) =	vadd.scan.msk.s32 $0xffff, v58;
	v59 =	vsel vm15, $0x1, v6  }
0x84: {  	v1 =	vxor.u32 $0x80000000, v1;
	(xrf0) =	vadd.scan.msk.s32 $0xffff, v59  }
0x85: {  	(xrf0) =	vmax.scan.msk.u32 $0xffff, v1;
	_ =	sdelay $0x3  }
0x86: {  	v60, _, _ =	vpop (xrf0)  }
0x87: {  	(v2sf) =	vpush v60, $0xF;
	v61, _, _ =	vpop (xrf0)  }
0x88: {  	(v2sf) =	vpush v61, $0xF;
	v62, _, _ =	vpop (xrf0)  }
0x89: {  	(v2sf) =	vpush v62, $0xF;
	_ =	sdelay $0xc  }
0x8a: {  	s25 =	spop (v2sf)  }
0x8b: {  	s28 =	spop (v2sf)  }
0x8c: {  	s29 =	spop (v2sf)  }
0x8d: {  	s26 =	sadd.s32 s6, s25;
	s6 =	sadd.s32 $0x80000001, s29  }
0x8e: {  	s10 =	ssub.s32 s6, s3  }
0x8f: {  	s5 =	sadd.s32 s26, s28;
	p1 =	sgt.s32 s10, $0x1  }
.Ltmp3:
0x90: {  	s30 =	sadd.s32 $0xF, s5;
	(pc) =	sbr.rel @!p1 .LBB2_12-.Ltmp3, $4  }
0x91: {  	s9 =	sshra.s32 s30, $0x1F  }
0x92: {  	s4 =	sadd.s32 $0x30, s4;
	s9 =	sshrl.u32 s9, $0x1C  }
0x93: {  	v63 =	vor.u32 s4, v0;
	[tilespmem:s26+$0x2000] =	vst.msk vm15, v7;
	s31 =	sadd.s32 s9, s30  }
0x94: {  	[tilespmem:s26+$0x4080] =	vst.msk vm15, v63;
	p0 =	slt.s32 s30, $0x1;
	s7 =	sand.u32 $0xF, s30;
	s4 =	sshra.s32 s31, $0x4  }
0x95: {  	p1 =	sne.s32 s7, $0x0  }
.Ltmp4:
0x96: {  	p1 =	por !p0, !p1;
	(pc) =	sbr.rel .LBB2_7-.Ltmp4, $4  }
0x97: {  	s8 =	simm.s32 $0x1;
	p1 =	por !p1, !p1  }
0x98: {  	s8 =	simm.s32 @!p1 $0x0  }
0x99: {  	s8 =	ssub.s32 s4, s8  }
0x9a: {  	v0 =	vmov s5;
	v1 =	vlaneseq.u32;
	v2 =	vimm.s32 $0x0;
	p1 =	slt.s32 s8, $0x1  }
.LBB2_10:
0x9b: {  	vm0 =	vmand vm0, vm1  }
0x9c: {  	v4 =	vsel vm0, $0x1, v2  }
0x9d: {  	v3 =	vadd.s32 v4, v3  }
.LBB2_11:
0x9e: {  	(xrf0) =	vadd.scan.msk.s32 $0xffff, v3;
	_ =	sdelay $0x5  }
0x9f: {  	v3, _, _ =	vpop (xrf0)  }
0xa0: {  	(v2sf) =	vpush v3, $0xF;
	_ =	sdelay $0xe  }
0xa1: {  	s10 =	spop (v2sf)  }
0xa2: {  	p2 =	sgt.s32 s10, $0x3F  }
0xa3: {  	s3 =	smov.u32 @p2 s9;
	s9 =	smov.u32 @p2 s6  }
0xa4: {  	s6 =	ssub.s32 s9, s3  }
0xa5: {  	p2 =	sgt.s32 s6, $0x1  }
.Ltmp5:
0xa6: {  	_ = 	snop;
	(pc) =	sbr.rel @!p2 .LBB2_12-.Ltmp5, $2  }
0xa7: {  	_ =	sdelay $0x2  }
0xa8: {  	s6 =	smov.u32 s9  }
.LBB2_7:
.Ltmp6:
0xa9: {  	(pc) =	sbr.rel @p1 .LBB2_11-.Ltmp6, $3  }
0xaa: {  	_ =	sdelay $0x1  }
0xab: {  	s9 =	sadd.s32 s3, s6  }
0xac: {  	v3 =	vimm.s32 $0x0;
	s9 =	sshra.s32 s9, $0x1  }
0xad: {  	s10 =	simm.s32 $0x2000  }
0xae: {  	p2 =	sne.s32 s8, $0x1;
	v5 =	vld [tilespmem:s10+$0x0]  }
.Ltmp7:
0xaf: {  	_ = 	snop;
	(pc) =	sbr.rel @!p2 .LBB2_10-.Ltmp7, $4  }
0xb0: {  	_ = 	snop  }
0xb1: {  	s10 =	simm.s32 $0x0  }
0xb2: {  	v4 =	vmov s9;
	v6 =	vor.u32 s10, v1  }
0xb3: {  	v3 =	vimm.s32 $0x0;
	s11 =	sadd.s32 $0xFFFFFFFF, s8;
	s12 =	simm.s32 $0x2010;
	vm0 =	vlt.s32 v6, v0;
	vm1 =	vge.s32 v5, v4  }
.LBB2_9:
0xb4: {  	v5 =	vld [tilespmem:s12+$0x0];
	p2 =	sne.s32 s11, $0x1;
	s11 =	sadd.s32 $0xFFFFFFFF, s11;
	vm0 =	vmand vm0, vm1  }
.Ltmp8:
0xb5: {  	v6 =	vsel vm0, $0x1, v2;
	(pc) =	sbr.rel @p2 .LBB2_9-.Ltmp8, $4  }
0xb6: {  	v3 =	vadd.s32 v6, v3  }
0xb7: {  	s10 =	sadd.s32 $0x10, s10  }
0xb8: {  	v6 =	vor.u32 s10, v1  }
0xb9: {  	s12 =	sadd.s32 $0x10, s12;
	vm0 =	vlt.s32 v6, v0;
	vm1 =	vge.s32 v5, v4  }
.Ltmp9:
0xba: {  	_ = 	snop;
	(pc) =	sbr.rel .LBB2_10-.Ltmp9, $1  }
0xbb: {  	_ =	sdelay $0x3  }
.LBB2_12:
0xbc: {  	p1 =	sne.s32 s7, $0x0  }
0xbd: {  	p0 =	por !p0, !p1  }
0xbe: {  	s6 =	simm.s32 $0x1;
	p0 =	por !p0, !p0  }
0xbf: {  	s6 =	simm.s32 @!p0 $0x0  }
0xc0: {  	s4 =	ssub.s32 s4, s6  }
0xc1: {  	p0 =	slt.s32 s4, $0x1  }
.Ltmp10:
0xc2: {  	_ = 	snop;
	(pc) =	sbr.rel @p0 .LBB2_16-.Ltmp10, $3  }
0xc3: {  	_ =	sdelay $0x1  }
0xc4: {  	v0 =	vmov s5  }
0xc5: {  	v1 =	vmov s3;
	v2 =	vimm.s32 $0x0;
	v3 =	vimm.s32 $0x0  }
0xc6: {  	s3 =	simm.s32 $0x2000  }
0xc7: {  	p1 =	sne.s32 s4, $0x1;
	v5 =	vld [tilespmem:s3+$0x0]  }
.Ltmp11:
0xc8: {  	_ = 	snop;
	(pc) =	sbr.rel @!p1 .LBB2_15-.Ltmp11, $4  }
0xc9: {  	_ = 	snop  }
0xca: {  	v4 =	vlaneseq.u32;
	s3 =	simm.s32 $0x0  }
0xcb: {  	v3 =	vimm.s32 $0x0;
	v6 =	vor.u32 s3, v4  }
0xcc: {  	s5 =	sadd.s32 $0xFFFFFFFF, s4;
	s6 =	simm.s32 $0x2010;
	vm0 =	vlt.s32 v6, v0;
	vm1 =	vgt.s32 v5, v1;
	v5 =	vimm.s32 $0x0  }
.LBB2_14:
0xcd: {  	v6 =	vld [tilespmem:s6+$0x0];
	p1 =	sne.s32 s5, $0x1;
	s5 =	sadd.s32 $0xFFFFFFFF, s5;
	vm0 =	vmand vm0, vm1  }
.Ltmp12:
0xce: {  	v7 =	vsel vm0, $0x1, v3;
	(pc) =	sbr.rel @p1 .LBB2_14-.Ltmp12, $4  }
0xcf: {  	v5 =	vadd.s32 v7, v5  }
0xd0: {  	s3 =	sadd.s32 $0x10, s3  }
0xd1: {  	v7 =	vor.u32 s3, v4  }
0xd2: {  	s6 =	sadd.s32 $0x10, s6;
	vm0 =	vlt.s32 v7, v0;
	vm1 =	vgt.s32 v6, v1  }
.LBB2_15:
0xd3: {  	vm0 =	vmand vm0, vm1  }
0xd4: {  	v3 =	vsel vm0, $0x1, v3  }
0xd5: {  	v3 =	vadd.s32 v3, v5  }
.LBB2_16:
0xd6: {  	(xrf0) =	vadd.scan.msk.s32 $0xffff, v3;
	_ =	sdelay $0x5  }
0xd7: {  	v3, _, _ =	vpop (xrf0)  }
0xd8: {  	(v2sf) =	vpush v3, $0xF;
	_ =	sdelay $0xb  }
.Ltmp13:
0xd9: {  	_ = 	snop;
	(pc) =	sbr.rel .LBB2_17-.Ltmp13, $3  }
0xda: {  	_ =	sdelay $0x1  }
0xdb: {  	s3 =	spop (v2sf)  }
0xdc: {  	s6 =	simm.s32 $0x0;
	s5 =	simm.s32 $0x2001;
	v3 =	vlaneseq.u32;
	s3 =	ssub.s32 $0x40, s3  }
.LBB2_18:
0xdd: {  	v4 =	vimm.s32 $0x0  }
.LBB2_22:
0xde: {  	(xrf0) =	vadd.scan.msk.s32 $0xffff, v4;
	_ =	sdelay $0x5  }
0xdf: {  	v4, _, _ =	vpop (xrf0)  }
0xe0: {  	(v2sf) =	vpush v4, $0xF;
	_ =	sdelay $0xe  }
0xe1: {  	s8 =	spop (v2sf)  }
0xe2: {  	p1 =	sgt.s32 s8, s3;
	s8 =	smov.u32 s7  }
0xe3: {  	s8 =	smov.u32 @p1 s6;
	s5 =	smov.u32 @p1 s7  }
0xe4: {  	s6 =	ssub.s32 s5, s8  }
0xe5: {  	p1 =	sgt.s32 s6, $0x1  }
.Ltmp14:
0xe6: {  	_ = 	snop;
	(pc) =	sbr.rel @!p1 .LBB2_23-.Ltmp14, $2  }
0xe7: {  	_ =	sdelay $0x2  }
0xe8: {  	s6 =	smov.u32 s8  }
.LBB2_17:
.Ltmp15:
0xe9: {  	(pc) =	sbr.rel @p0 .LBB2_18-.Ltmp15, $3  }
0xea: {  	_ =	sdelay $0x1  }
0xeb: {  	s7 =	sadd.s32 s6, s5  }
0xec: {  	s7 =	sshra.s32 s7, $0x1  }
0xed: {  	s8 =	simm.s32 $0x4080  }
0xee: {  	s9 =	simm.s32 $0x2000;
	p1 =	sne.s32 s4, $0x1;
	v7 =	vld [tilespmem:s8+$0x0]  }
.Ltmp16:
0xef: {  	v6 =	vld [tilespmem:s9+$0x0];
	(pc) =	sbr.rel @!p1 .LBB2_21-.Ltmp16, $4  }
0xf0: {  	_ = 	snop  }
0xf1: {  	s8 =	simm.s32 $0x0  }
0xf2: {  	v5 =	vmov s7;
	v8 =	vor.u32 s8, v3  }
0xf3: {  	v4 =	vimm.s32 $0x0;
	s10 =	sadd.s32 $0xFFFFFFFF, s4;
	s11 =	simm.s32 $0x4090;
	vm0 =	vlt.s32 v8, v0;
	vm1 =	vlt.s32 v7, v5  }
.LBB2_20:
0xf4: {  	v7 =	vld [tilespmem:s11+$0x0];
	p1 =	sne.s32 s10, $0x1;
	s10 =	sadd.s32 $0xFFFFFFFF, s10;
	vm2 =	veq.s32 v6, v1;
	vm0 =	vmand vm1, vm0;
	s9 =	sadd.s32 $0x10, s9  }
.Ltmp17:
0xf5: {  	v6 =	vld [tilespmem:s9+$0x0];
	vm0 =	vmand vm0, vm2;
	(pc) =	sbr.rel @p1 .LBB2_20-.Ltmp17, $4  }
0xf6: {  	v8 =	vsel vm0, $0x1, v2  }
0xf7: {  	s8 =	sadd.s32 $0x10, s8;
	v4 =	vadd.s32 v8, v4  }
0xf8: {  	v8 =	vor.u32 s8, v3  }
0xf9: {  	s11 =	sadd.s32 $0x10, s11;
	vm0 =	vlt.s32 v8, v0;
	vm1 =	vlt.s32 v7, v5  }
.LBB2_21:
.Ltmp18:
0xfa: {  	(pc) =	sbr.rel .LBB2_22-.Ltmp18, $4  }
0xfb: {  	vm2 =	veq.s32 v6, v1;
	vm0 =	vmand vm1, vm0  }
0xfc: {  	vm0 =	vmand vm0, vm2  }
0xfd: {  	v5 =	vsel vm0, $0x1, v2  }
0xfe: {  	v4 =	vadd.s32 v5, v4  }
.LBB2_23:
0xff: {  	s3 =	simm.s32 $0x6120;
	v2 =	vimm.f32 $0.0e+00  }
0x100: {  	[tilespmem:s3+$0xFFFFFFE0] =	vst v2  }
0x101: {  	[tilespmem:s3+$0x10] =	vst v2  }
0x102: {  	s5 =	simm.s32 $0x0;
	[tilespmem:s3+$0x0] =	vst v2  }
.LBB2_24:
0x103: {  	s5 =	sadd.s32 $0x4, s5  }
0x104: {  	[tilespmem:s3+$0xFFFFFFF0] =	vst v2;
	s3 =	sadd.s32 $0x40, s3;
	p1 =	slt.u32 s5, $0x1FC  }
.Ltmp19:
0x105: {  	[tilespmem:s3+$0xFFFFFFE0] =	vst v2;
	(pc) =	sbr.rel @p1 .LBB2_24-.Ltmp19, $3  }
0x106: {  	_ =	sdelay $0x1  }
0x107: {  	[tilespmem:s3+$0x10] =	vst v2  }
0x108: {  	[tilespmem:s3+$0x0] =	vst v2  }
.Ltmp20:
0x109: {  	(pc) =	sbr.rel @p0 .LBB2_40-.Ltmp20, $2  }
0x10a: {  	_ =	sdelay $0x2  }
0x10b: {  	[tilespmem:s3+$0xFFFFFFF0] =	vst v2  }
0x10c: {  	s3 =	simm.s32 $0x2000  }
0x10d: {  	p1 =	sne.s32 s4, $0x1;
	v7 =	vld [tilespmem:s3+$0x0]  }
.Ltmp21:
0x10e: {  	_ = 	snop;
	(pc) =	sbr.rel @!p1 .LBB2_27-.Ltmp21, $3  }
0x10f: {  	_ =	sdelay $0x1  }
0x110: {  	v2 =	vmov s8;
	s6 =	simm.s32 $0x4080;
	s5 =	simm.s32 $0x0;
	p2 =	por $0x0, $0x0  }
0x111: {  	v3 =	vimm.f32 $0.0e+00;
	v4 =	vlaneseq.u32;
	p0 =	por $0x0, $0x0;
	s3 =	sadd.s32 $0xFFFFFFFF, s4;
	s4 =	simm.s32 $0x2010;
	v9 =	vadd.f32 v7, v7  }
0x112: {  	_ = 	snop  }
0x113: {  	v6 =	vmul.f32 $1.442695020e+00, v9;
	_ =	sdelay $0x1  }
0x114: {  	(erf) = vpow2.f32 v6;
	_ =	sdelay $0x2  }
0x115: {  	v5 =	vld [tilespmem:s4+$0x0];
	p3 =	sne.s32 s3, $0x1  }
.Ltmp22:
0x116: {  	_ = 	snop;
	(pc) =	sbr.rel @!p3 .LBB2_29-.Ltmp22, $2  }
0x117: {  	_ =	sdelay $0x2  }
0x118: {  	s4 =	sadd.s32 $0xFFFFFFFF, s3;
	s7 =	simm.s32 $0x2020;
	p2 =	por $0x1, $0x1;
	v6 =	vld [tilespmem:s6+$0x0];
	v9 =	vadd.f32 v5, v5  }
0x119: {  	v10 =	vld [tilespmem:s7+$0x0]  }
0x11a: {  	p4 =	sne.s32 s4, $0x1;
	v8 =	vmul.f32 $1.442695020e+00, v9  }
.Ltmp23:
0x11b: {  	_ = 	snop;
	(pc) =	sbr.rel @!p4 .LBB2_31-.Ltmp23, $4  }
0x11c: {  	(erf) = vpow2.f32 v8  }
0x11d: {  	vm0 =	veq.s32 v7, v1;
	s8 =	sadd.s32 $0xFFFFFFFF, s4;
	s4 =	simm.s32 $0x4090;
	vm2 =	vgt.s32 v7, v1;
	vm1 =	vlt.s32 v6, v2  }
0x11e: {  	v8 =	vor.u32 s5, v4;
	v6 =	vld [tilespmem:s4+$0x0];
	vm1 =	vmand vm0, vm1;
	v9 =	vadd.f32 v10, v10  }
0x11f: {  	s9 =	simm.s32 $0x2030;
	p3 =	por $0x1, $0x1;
	s7 =	simm.s32 $0x0;
	vm0 =	vlt.s32 v8, v0;
	v8 =	vimm.f32 $0.0e+00;
	vm1 =	vmor vm2, vm1  }
.LBB2_32:
0x120: {  	v7 =	vld [tilespmem:s9+$0x0];
	p4 =	sne.s32 s8, $0x1;
	s8 =	sadd.s32 $0xFFFFFFFF, s8;
	vm0 =	vmand vm0, vm1;
	v11 =	vpop (erf)  }
.Ltmp24:
0x121: {  	v9 =	vmul.f32 $1.442695020e+00, v9;
	v11 =	vnsel vm0, $0x0, v11;
	(pc) =	sbr.rel @p4 .LBB2_32-.Ltmp24, $4  }
0x122: {  	v8 =	vadd.f32 v11, v8  }
0x123: {  	s4 =	sadd.s32 $0x10, s4;
	s7 =	sadd.s32 $0x10, s7;
	vm0 =	veq.s32 v5, v1;
	(erf) = vpow2.f32 v9;
	vm1 =	vlt.s32 v6, v2  }
0x124: {  	vm2 =	vgt.s32 v5, v1;
	v5 =	vmovc v10;
	v11 =	vor.u32 s7, v4;
	v6 =	vld [tilespmem:s4+$0x0];
	vm1 =	vmand vm0, vm1  }
0x125: {  	s9 =	sadd.s32 $0x10, s9;
	vm0 =	vlt.s32 v11, v0;
	v9 =	vadd.f32 v7, v7;
	vm1 =	vmor vm2, vm1;
	v10 =	vmovc v7  }
0x126: {  	v7 =	vmov v5;
	v5 =	vmov v10  }
.LBB2_34:
0x127: {  	v9 =	vmul.f32 $1.442695020e+00, v9  }
0x128: {  	s4 =	sadd.s32 @p2 $0x10, s4  }
0x129: {  	v10 =	vpop @p3 (erf);
	s6 =	smov.u32 @p2 s4;
	(erf) = vpow2.f32 v9  }
0x12a: {  	vm0 =	vmand @p3 vm0, vm1;
	s7 =	sadd.s32 @p3 $0x10, s7;
	s4 =	simm.s32 $0x0;
	vm1 =	vlt.s32 @p2 v6, v2;
	v6 =	vld [tilespmem:s6+$0x0]  }
0x12b: {  	vm12 =	veq.s32 v5, v1;
	v9 =	vnsel @p3 vm0, $0x0, v10;
	vm0 =	veq.s32 @p2 v7, v1;
	s4 =	smov.u32 @p3 s7  }
0x12c: {  	vm0 =	vmand @p2 vm0, vm1;
	v10 =	vor.u32 @p2 s4, v4;
	vm1 =	vgt.s32 @p2 v7, v1  }
0x12d: {  	vm14 =	vgt.s32 v5, v1;
	s4 =	sadd.s32 @p2 $0x10, s4;
	vm2 =	vlt.s32 @p2 v10, v0;
	vm0 =	vmor @p2 vm1, vm0  }
0x12e: {  	v7 =	vadd.f32 @p3 v9, v8;
	s5 =	smov.u32 @p2 s4;
	vm1 =	vmmov @p2 vm2;
	vm0 =	vmmov @p2 vm0  }
0x12f: {  	v8 =	vpop @p2 (erf);
	v4 =	vor.u32 s5, v4;
	vm0 =	vmand @p2 vm1, vm0;
	vm13 =	vlt.s32 v6, v2  }
0x130: {  	v7 =	vpsel p3, v7, v3;
	v8 =	vnsel @p2 vm0, $0x0, v8;
	vm0 =	vmand vm12, vm13  }
0x131: {  	vm15 =	vlt.s32 v4, v0;
	v5 =	vadd.f32 @p2 v8, v7;
	vm0 =	vmor vm14, vm0  }
0x132: {  	vm0 =	vmand vm15, vm0;
	v4 =	vpop (erf)  }
0x133: {  	v3 =	vpsel p2, v5, v3;
	v4 =	vnsel vm0, $0x0, v4  }
0x134: {  	v3 =	vadd.f32 v4, v3;
	_ =	sdelay $0x1  }
0x135: {  	(xrf2) =	vadd.scan.msk.f32 $0xffff, v3;
	_ =	sdelay $0x9  }
0x136: {  	v3, _, _ =	vpop (xrf2)  }
0x137: {  	v3 =	vbroadcast v3, $0xF;
	_ =	sdelay $0x1  }
0x138: {  	(erf) = vrcp.f32 v3;
	_ =	sdelay $0x4  }
.Ltmp25:
0x139: {  	_ = 	snop;
	(pc) =	sbr.rel @!p1 .LBB2_35-.Ltmp25, $3  }
0x13a: {  	_ =	sdelay $0x1  }
0x13b: {  	s31 =	simm.s32 $0x2000  }
0x13c: {  	s6 =	simm.s32 $0x4080;
	s4 =	simm.s32 $0x6100;
	s5 =	simm.s32 $0x0;
	v5 =	vld [tilespmem:s31+$0x0];
	v4 =	vlaneseq.u32;
	v3 =	vpop (erf)  }
0x13d: {  	_ =	sdelay $0x3  }
0x13e: {  	v6 =	vadd.f32 v5, v5;
	_ =	sdelay $0x1  }
0x13f: {  	v7 =	vld [tilespmem:s6+$0x0];
	v6 =	vmul.f32 $1.442695020e+00, v6;
	_ =	sdelay $0x1  }
0x140: {  	(erf) = vpow2.f32 v6;
	_ =	sdelay $0x2  }
0x141: {  	vm0 =	veq.s32 v5, v1;
	vm1 =	vlt.s32 v7, v2  }
0x142: {  	vm2 =	vgt.s32 v5, v1;
	vm0 =	vmand vm0, vm1;
	v6 =	vor.u32 s5, v4  }
0x143: {  	vm0 =	vmor vm2, vm0;
	vm15 =	vlt.s32 v6, v0  }
0x144: {  	vm0 =	vmand vm15, vm0;
	_ =	sdelay $0x1  }
0x145: {  	p1 =	sne.s32 s3, $0x1  }
.Ltmp26:
0x146: {  	v5 =	vpop (erf);
	(pc) =	sbr.rel @!p1 .LBB2_37-.Ltmp26, $3  }
0x147: {  	v5 =	vmul.f32 v5, v3;
	_ =	sdelay $0x1  }
0x148: {  	s8 =	simm.s32 $0x2010;
	s9 =	sadd.s32 $0xFFFFFFFF, s3;
	[tilespmem:v7+s4+$0x0] =	vst.idx.msk vm0, v5  }
0x149: {  	p0 =	por $0x1, $0x1;
	s7 =	simm.s32 $0x4080;
	s3 =	simm.s32 $0x0;
	v5 =	vld [tilespmem:s8+$0x0]  }
.LBB2_38:
0x14a: {  	p1 =	sne.s32 s9, $0x1;
	_ =	sdelay $0x3  }
0x14b: {  	v6 =	vadd.f32 v5, v5  }
0x14c: {  	s7 =	sadd.s32 $0x10, s7  }
0x14d: {  	v7 =	vld [tilespmem:s7+$0x0];
	v6 =	vmul.f32 $1.442695020e+00, v6;
	_ =	sdelay $0x1  }
0x14e: {  	(erf) = vpow2.f32 v6;
	_ =	sdelay $0x2  }
0x14f: {  	s3 =	sadd.s32 $0x10, s3;
	vm0 =	veq.s32 v5, v1;
	vm1 =	vlt.s32 v7, v2  }
0x150: {  	vm2 =	vgt.s32 v5, v1;
	v6 =	vor.u32 s3, v4;
	vm0 =	vmand vm0, vm1  }
0x151: {  	vm1 =	vlt.s32 v6, v0;
	vm0 =	vmor vm2, vm0  }
0x152: {  	vm0 =	vmand vm1, vm0;
	_ =	sdelay $0x2  }
.Ltmp27:
0x153: {  	v5 =	vpop (erf);
	(pc) =	sbr.rel @p1 .LBB2_38-.Ltmp27, $3  }
0x154: {  	v5 =	vmul.f32 v5, v3;
	_ =	sdelay $0x1  }
0x155: {  	s8 =	sadd.s32 $0x10, s8;
	[tilespmem:v7+s4+$0x0] =	vst.idx.msk vm0, v5  }
0x156: {  	s9 =	sadd.s32 $0xFFFFFFFF, s9;
	v5 =	vld [tilespmem:s8+$0x0]  }
.LBB2_39:
0x157: {  	_ =	sdelay $0x3  }
0x158: {  	s7 =	sadd.s32 @p0 $0x10, s7;
	v6 =	vadd.f32 v5, v5  }
0x159: {  	s6 =	smov.u32 @p0 s7  }
0x15a: {  	v7 =	vld [tilespmem:s6+$0x0];
	v6 =	vmul.f32 $1.442695020e+00, v6;
	_ =	sdelay $0x1  }
0x15b: {  	(erf) = vpow2.f32 v6;
	_ =	sdelay $0x1  }
0x15c: {  	s3 =	sadd.s32 @p0 $0x10, s3  }
0x15d: {  	s5 =	smov.u32 @p0 s3;
	vm0 =	veq.s32 v5, v1;
	vm1 =	vlt.s32 v7, v2  }
0x15e: {  	v62 =	vor.u32 s5, v4;
	vm2 =	vgt.s32 v5, v1;
	vm0 =	vmand vm0, vm1  }
0x15f: {  	vm15 =	vlt.s32 v62, v0;
	vm0 =	vmor vm2, vm0  }
0x160: {  	vm0 =	vmand vm15, vm0;
	_ =	sdelay $0x2  }
0x161: {  	v63 =	vpop (erf)  }
0x162: {  	v0 =	vmul.f32 v63, v3;
	_ =	sdelay $0x1  }
0x163: {  	[tilespmem:v7+s4+$0x0] =	vst.idx.msk vm0, v0  }
.LBB2_40:
0x164: {  	s3 =	simm.s32 $0x80  }
0x165: {  	s4 =	simm.s32 $0x400;
	s5 =	simm.s32 $0x6100;
	s31 =	simm.s32 $0x1  }
0x166: {  	[hbm4b:s2+s3] =	stream.strided.scatter [tilespmem:s5], [sflag:$0x1], $0x2000, s4, s3, $0x38;
	[tilespmem:$0x8100] =	vst v63  }
0x167: {  	_ =	swait.ge [sflag:s31], $0x2000  }
0x168: {  	[sflag:s31] =	ssyncset.done $0x0  }
0x169: {  	[sflag:s31] =	ssyncadd.s32 $0xFFFFE000  }
.LBB2_41:
0x16a: {  	_ =	sfence.sel $0x180000  }
0x16b: {  	[bflag:$0x0] =	sbarrier.arrive $0xFFFF  }
0x16c: {  	p0 =	sne.s32 s1, $0x0;
	_ =	strace $0x90000047  }
0x16d: {  	s0 =	sadd.s32 @!p0 $0x100000, s0;
	[bflag:$0x2] =	sbarrier.arrive $0xFFFF  }
0x16e: {  	[sflag:s0] =	ssyncadd.tile.s32 @!p0 $0x1;
	_ =	shalt  }
.LBB2_27:
.Ltmp28:
0x16f: {  	(pc) =	sbr.rel .LBB2_34-.Ltmp28, $2  }
0x170: {  	_ =	sdelay $0x2  }
0x171: {  	v8 =	vimm.f32 $0.0e+00;
	s4 =	simm.s32 $0x4080;
	s7 =	simm.s32 $0x0;
	v5 =	vmov v7;
	p3 =	por $0x0, $0x0  }
.LBB2_35:
.Ltmp29:
0x172: {  	(pc) =	sbr.rel .LBB2_39-.Ltmp29, $2  }
0x173: {  	_ =	sdelay $0x2  }
0x174: {  	s7 =	simm.s32 $0x4080;
	s3 =	simm.s32 $0x0  }
.LBB2_29:
.Ltmp30:
0x175: {  	(pc) =	sbr.rel .LBB2_34-.Ltmp30, $2  }
0x176: {  	_ =	sdelay $0x2  }
0x177: {  	v8 =	vimm.f32 $0.0e+00;
	s4 =	simm.s32 $0x4080;
	s7 =	simm.s32 $0x0;
	p3 =	por $0x0, $0x0  }
.LBB2_37:
.Ltmp31:
0x178: {  	(pc) =	sbr.rel .LBB2_39-.Ltmp31, $2  }
0x179: {  	_ =	sdelay $0x2  }
0x17a: {  	s7 =	simm.s32 $0x4080;
	s3 =	simm.s32 $0x0  }
.LBB2_31:
.Ltmp32:
0x17b: {  	(pc) =	sbr.rel .LBB2_34-.Ltmp32, $2  }
0x17c: {  	_ =	sdelay $0x2  }
0x17d: {  	v7 =	vmov v5;
	v8 =	vimm.f32 $0.0e+00;
	s7 =	simm.s32 $0x0;
	v5 =	vmov v10  }
.Lfunc_end2:
_tile_overlayer_lowered:
.L_overlay_start_2:
0x17e: {  	(tag) =	ssettag $0x2  }
0x17f: {  	s0 =	rddreg [dreg:$0x0];
	s2 =	stileid.u32  }
0x180: {  	s1 =	rddreg [dreg:$0x1];
	p0 =	sne.s32 s2, $0x0  }
0x181: {  	s3 =	rddreg [dreg:$0x2];
	[bflag:$0x3] =	sbarrier.arrive $0xFFFF;
	s2 =	simm.s32 @!p0 $0x1C02  }
0x182: {  	[timem:s3], [sflag:s2] =	dma.local @!p0 [hbm:s0], s1  }
0x183: {  	s0 =	simm.s32 @!p0 $0x2  }
0x184: {  	_ =	swait.ge @!p0 [sflag:s0], s1  }
0x185: {  	s1 =	ssub.s32 @!p0 $0x0, s1;
	[sflag:s0] =	ssyncset.done @!p0 $0x0  }
0x186: {  	[sflag:s0] =	ssyncadd.s32 @!p0 s1  }
0x187: {  	[bflag:$0x3] =	sbarrier.arrive $0xFFFF  }
0x188: {  	_ =	shalt  }

</sc_bundles>
